<compile_context>
chip_gen: v7x
topology: tpu7x:2x2x1
jax: 0.10.2.dev20260603
libtpu: 0.0.44.dev20260713+nightly
codegen_flags: <defaults>
</compile_context>

<pallas_src>
import functools

import jax
import jax.numpy as jnp
import numpy as np
from jax import lax
from jax.experimental import pallas as pl

_H = (8, 16)
_K = (32, 32)
_PF = (0.25, 0.25)
_BF = jnp.bfloat16
_F32 = jnp.float32
_HI = lax.Precision.HIGHEST


def _bdot(a, b):
    return jnp.dot(a.astype(_BF), b.astype(_BF), preferred_element_type=_F32)


def _qkv_knl(x_ref, wq, bq, wk, bk, wv, bv, q_ref, k_ref, v_ref):
    x = x_ref[...]
    q_ref[...] = _bdot(x, wq[...]) + bq[...]
    k_ref[...] = _bdot(x, wk[...]) + bk[...]
    v_ref[...] = _bdot(x, wv[...]) + bv[...]


def _res_knl(x_ref, o_ref, w, b, out_ref):
    out_ref[...] = x_ref[...] + _bdot(o_ref[...], w[...]) + b[...]


def _ff_knl(x_ref, w1, b1, w2, b2, p1, pb1, xm_ref, h_ref):
    x = x_ref[...]
    ff = jnp.maximum(_bdot(x, w1[...]) + b1[...], 0.0)
    xm = x + _bdot(ff, w2[...]) + b2[...]
    xm_ref[...] = xm
    h_ref[...] = jnp.tanh(_bdot(xm, p1[...]) + pb1[...])


def _emb_knl(x_ref, w, b, out_ref):
    out_ref[...] = _bdot(x_ref[...], w[...]) + b[...]


def _pool_knl(x_ref, sc_ref, sr_ref, xv_ref, oW_ref, ob_ref,
              xo_ref, xvo_ref, vals_ref, idx_ref, *, N, M, RC):
    s_col = sc_ref[0]
    s_row = sr_ref[0]
    parts = []
    for c in range(N // RC):
        sn = s_row[:, c * RC:(c + 1) * RC]
        gt = (s_col > sn).astype(_F32)
        eq = s_col == sn
        jj = lax.broadcasted_iota(jnp.int32, (N, RC), 0)
        nn = lax.broadcasted_iota(jnp.int32, (N, RC), 1) + c * RC
        tie = jnp.where(eq, (jj < nn).astype(_F32), 0.0)
        parts.append(jnp.sum(gt + tie, axis=0, keepdims=True))
    rank = jnp.concatenate(parts, axis=1)
    om = lax.broadcasted_iota(jnp.int32, (M, 1), 0).astype(_F32)
    P = (rank == om).astype(_F32)
    x_pool = jnp.dot(P, x_ref[0], preferred_element_type=_F32, precision=_HI)
    xv_pool = jnp.dot(P, xv_ref[0], preferred_element_type=_F32, precision=_HI)
    vals = jnp.dot(P, s_col, preferred_element_type=_F32, precision=_HI)
    ii = lax.broadcasted_iota(jnp.int32, (N, 1), 0).astype(_F32)
    idxf = jnp.dot(P, ii, preferred_element_type=_F32, precision=_HI)
    gate = jax.nn.sigmoid(vals)
    xo_ref[0] = _bdot(x_pool * gate, oW_ref[...]) + ob_ref[...]
    xvo_ref[0] = xv_pool
    vals_ref[0] = vals
    idx_ref[0] = jnp.round(idxf).astype(jnp.int32)



def _gat_knl(idx_ref, p0_ref, p1_ref, p2_ref, kn_ref, vn_ref, *, CH, N, D):
    idx_col = idx_ref[0]
    iota = lax.broadcasted_iota(jnp.int32, (CH, N), 1)
    G = (idx_col == iota).astype(_BF)
    a = jnp.dot(G, p0_ref[0], preferred_element_type=_F32)
    b = jnp.dot(G, p1_ref[0], preferred_element_type=_F32)
    c = jnp.dot(G, p2_ref[0], preferred_element_type=_F32)
    kv = (a + b) + c
    kn_ref[0] = kv[:, :D]
    vn_ref[0] = kv[:, D:]


def _bf3_split(a):
    bits = lax.bitcast_convert_type(a, jnp.uint32)
    p0 = lax.bitcast_convert_type(bits & jnp.uint32(0xFFFF0000), jnp.float32)
    r1 = a - p0
    bits1 = lax.bitcast_convert_type(r1, jnp.uint32)
    p1 = lax.bitcast_convert_type(bits1 & jnp.uint32(0xFFFF0000), jnp.float32)
    p2 = r1 - p1
    return p0.astype(_BF), p1.astype(_BF), p2.astype(_BF)


def _gather_kv(k, v, idx):
    B, N, D = k.shape
    K = idx.shape[-1]
    NK = N * K
    CH = 2048 if NK % 2048 == 0 else 512
    NC = NK // CH
    idx3 = idx.reshape(B * NC, CH, 1)
    kv = jnp.concatenate([k, v], axis=-1)
    ps = [p for p in _bf3_split(kv)]
    body = functools.partial(_gat_knl, CH=CH, N=N, D=D)
    in_specs = [pl.BlockSpec((1, CH, 1), lambda b, c: (b * NC + c, 0, 0))]
    in_specs += [pl.BlockSpec((1, N, 2 * D), lambda b, c: (b, 0, 0))] * 3
    out_specs = (pl.BlockSpec((1, CH, D), lambda b, c: (b, c, 0)),) * 2
    out_shape = (jax.ShapeDtypeStruct((B, NK, D), _F32),) * 2
    fn = pl.pallas_call(body, grid=(B, NC), in_specs=in_specs,
                        out_specs=out_specs, out_shape=out_shape)
    kn, vn = fn(idx3, *ps)
    return kn, vn


def _lin_call(knl, args, out_shapes):
    return pl.pallas_call(knl, out_shape=out_shapes)(*args)


def _row(a):
    return a.reshape(1, -1)


def _knn_idx(xv, K):
    n2 = jnp.sum(xv * xv, axis=-1)
    d2 = n2[:, :, None] + n2[:, None, :] - 2.0 * jnp.einsum('bnd,bmd->bnm', xv, xv)
    _, idx = jax.lax.top_k(-d2, K)
    return idx


def _batch_spec(shape):
    nd = len(shape)
    return pl.BlockSpec((1,) + shape[1:], lambda b: (b,) + (0,) * (nd - 1))


def _full_spec(shape):
    nd = len(shape)
    return pl.BlockSpec(shape, lambda b: (0,) * nd)


def _run_pool(x_mid, s, xv_pad, oW, ob, *, M, OUT):
    B, N, D = x_mid.shape
    s_col = s[..., None]
    s_row = s[:, None, :]
    body = functools.partial(_pool_knl, N=N, M=M, RC=512)
    in_specs = [_batch_spec(x_mid.shape), _batch_spec(s_col.shape),
                _batch_spec(s_row.shape), _batch_spec(xv_pad.shape),
                _full_spec(oW.shape), _full_spec(ob.shape)]
    out_shape = (jax.ShapeDtypeStruct((B, M, OUT), _F32),
                 jax.ShapeDtypeStruct((B, M, 8), _F32),
                 jax.ShapeDtypeStruct((B, M, 1), _F32),
                 jax.ShapeDtypeStruct((B, M, 1), jnp.int32))
    out_specs = (_batch_spec((B, M, OUT)), _batch_spec((B, M, 8)),
                 _batch_spec((B, M, 1)), _batch_spec((B, M, 1)))
    fn = pl.pallas_call(body, grid=(B,), in_specs=in_specs,
                        out_specs=out_specs, out_shape=out_shape)
    return fn(x_mid, s_col, s_row, xv_pad, oW, ob)


def kernel(x, x_v, params):
    p = params
    B, N, _ = x.shape
    x2 = x.reshape(B * N, 3)
    xe = _lin_call(_emb_knl, (x2, p['emb_W'], _row(p['emb_b'])),
                   jax.ShapeDtypeStruct((B * N, 128), _F32))
    x = xe.reshape(B, N, 128)
    extras = []
    for i in range(2):
        H, K = _H[i], _K[i]
        B, N, D = x.shape
        dh = D // H
        idx = _knn_idx(x_v, K)
        x2 = x.reshape(B * N, D)
        sd = jax.ShapeDtypeStruct((B * N, D), _F32)
        q, k, v = _lin_call(
            _qkv_knl,
            (x2, p[f'mha{i}_Wq'], _row(p[f'mha{i}_Wqb']),
             p[f'mha{i}_Wk'], _row(p[f'mha{i}_Wkb']),
             p[f'mha{i}_Wv'], _row(p[f'mha{i}_Wvb'])),
            (sd, sd, sd))
        q = q.reshape(B, N, D)
        k = k.reshape(B, N, D)
        v = v.reshape(B, N, D)
        kn2, vn2 = _gather_kv(k, v, idx)
        kn = kn2.reshape(B, N, K, H, dh)
        vn = vn2.reshape(B, N, K, H, dh)
        qh = q.reshape(B, N, H, dh)
        logits = jnp.einsum('bnhd,bnkhd->bnhk', qh, kn) / np.sqrt(dh)
        w = jax.nn.softmax(logits, axis=-1)
        o = jnp.einsum('bnhk,bnkhd->bnhd', w, vn).reshape(B * N, D)
        xa = _lin_call(_res_knl,
                       (x2, o, p[f'mha{i}_Wo'], _row(p[f'mha{i}_Wob'])), sd)
        FFD = p[f'ff{i}_W1'].shape[1]
        PH = p[f'pool{i}_W1'].shape[1]
        xm, h = _lin_call(
            _ff_knl,
            (xa, p[f'ff{i}_W1'], _row(p[f'ff{i}_b1']),
             p[f'ff{i}_W2'], _row(p[f'ff{i}_b2']),
             p[f'pool{i}_W1'], _row(p[f'pool{i}_b1'])),
            (sd, jax.ShapeDtypeStruct((B * N, PH), _F32)))
        s = (h @ p[f'pool{i}_W2'] + p[f'pool{i}_b2'])[..., 0].reshape(B, N)
        M = int(N * _PF[i])
        OUT = p[f'out{i}_W'].shape[1]
        xv_pad = jnp.pad(x_v, ((0, 0), (0, 0), (0, 5)))
        xn, xvn, vals, idxs = _run_pool(
            xm.reshape(B, N, D), s, xv_pad, p[f'out{i}_W'],
            _row(p[f'out{i}_b']), M=M, OUT=OUT)
        x = xn
        x_v = xvn[..., :3]
        extras.append((vals[..., 0], idxs[..., 0]))
    return (x, x_v, extras[0][0], extras[0][1], extras[1][0], extras[1][1])

# --- scband reference (transcript-rebuilt; emitter-appended) ---
"""Pipeline reference for scband-mhaencoder-v-7138235646305 (READ-ONLY COPY).

The authoritative reference and input builder live on the scoring server;
editing this copy changes nothing except your own understanding.
"""

import jax, jax.numpy as jnp
import numpy as np

STAGES = [128, 256]
HEADS = [8, 16]
KNN = [32, 32]
PF = [0.25, 0.25]
PH = [64, 64]
FF = [512, 1024]
OUT = [256, 64]
INPUT_DIM = 3


def _lin(key, i, o):
    return (jax.random.normal(key, (i, o), jnp.float32) / np.sqrt(i), jnp.zeros((o,), jnp.float32))


def setup_inputs(seed: int = 0) -> dict:
    key = jax.random.key(seed)
    ks = iter(jax.random.split(key, 64))
    x = jax.random.normal(next(ks), (4, 2048, INPUT_DIM), jnp.float32)
    x_v = jax.random.normal(next(ks), (4, 2048, INPUT_DIM), jnp.float32)
    params = {}
    params['emb_W'], params['emb_b'] = _lin(next(ks), INPUT_DIM, STAGES[0])
    for i, st in enumerate(STAGES):
        for nm in ['Wq', 'Wk', 'Wv', 'Wo']:
            params[f'mha{i}_{nm}'], params[f'mha{i}_{nm}b'] = _lin(next(ks), st, st)
        params[f'ff{i}_W1'], params[f'ff{i}_b1'] = _lin(next(ks), st, FF[i])
        params[f'ff{i}_W2'], params[f'ff{i}_b2'] = _lin(next(ks), FF[i], st)
        params[f'pool{i}_W1'], params[f'pool{i}_b1'] = _lin(next(ks), st, PH[i])
        params[f'pool{i}_W2'], params[f'pool{i}_b2'] = _lin(next(ks), PH[i], 1)
        params[f'out{i}_W'], params[f'out{i}_b'] = _lin(next(ks), st, OUT[i])
    return {'x': x, 'x_v': x_v, 'params': params}


def _knn_idx(xv, K):
    n2 = jnp.sum(xv * xv, axis=-1)
    d2 = n2[:, :, None] + n2[:, None, :] - 2.0 * jnp.einsum('bnd,bmd->bnm', xv, xv)
    _, idx = jax.lax.top_k(-d2, K)  # return_sorted=True: ascending distance
    return idx


def _gather(a, idx):
    return jax.vmap(lambda ab, ib: ab[ib])(a, idx)


def _mha_knn(x, xv, p, i, H, K):
    B, N, D = x.shape
    dh = D // H
    idx = _knn_idx(xv, K)
    q = x @ p[f'mha{i}_Wq'] + p[f'mha{i}_Wqb']
    k = x @ p[f'mha{i}_Wk'] + p[f'mha{i}_Wkb']
    v = x @ p[f'mha{i}_Wv'] + p[f'mha{i}_Wvb']
    kn = _gather(k, idx).reshape(B, N, K, H, dh)
    vn = _gather(v, idx).reshape(B, N, K, H, dh)
    qh = q.reshape(B, N, H, dh)
    logits = jnp.einsum('bnhd,bnkhd->bnhk', qh, kn) / np.sqrt(dh)
    w = jax.nn.softmax(logits, axis=-1)
    o = jnp.einsum('bnhk,bnkhd->bnhd', w, vn).reshape(B, N, D)
    return x + (o @ p[f'mha{i}_Wo'] + p[f'mha{i}_Wob']), jnp.mean(w, axis=2)


def _forward(x, x_v, params):
    x = x @ params['emb_W'] + params['emb_b']
    extras = []
    for i in range(len(STAGES)):
        x, _ = _mha_knn(x, x_v, params, i, HEADS[i], KNN[i])
        x = x + (jax.nn.relu(x @ params[f'ff{i}_W1'] + params[f'ff{i}_b1']) @ params[f'ff{i}_W2'] + params[f'ff{i}_b2'])
        h = jnp.tanh(x @ params[f'pool{i}_W1'] + params[f'pool{i}_b1'])
        s = (h @ params[f'pool{i}_W2'] + params[f'pool{i}_b2'])[..., 0]
        M = int(x.shape[1] * PF[i])
        vals, idx = jax.lax.top_k(s, M)
        x = _gather(x, idx) * jax.nn.sigmoid(vals)[..., None]
        x_v = _gather(x_v, idx)
        extras.append((vals, idx))
        x = x @ params[f'out{i}_W'] + params[f'out{i}_b']
    return x, x_v, extras


def reference(x, x_v, params):
    xo, xvo, extras = _forward(x, x_v, params)
    return (xo, xvo, extras[0][0], extras[0][1], extras[1][0], extras[1][1])

if __name__ == "__main__":
    import jax
    _d = setup_inputs()
    print(jax.jit(kernel)(*tuple(_d.values())))

</pallas_src>

<mosaic_0001>
module attributes {stable_mosaic.version = 14 : i64} {
  func.func @_emb_knl(%arg0: memref<8192x3xf32, #tpu.memory_space<vmem>>, %arg1: memref<3x128xf32, #tpu.memory_space<vmem>>, %arg2: memref<1x128xf32, #tpu.memory_space<vmem>>, %arg3: memref<8192x128xf32, #tpu.memory_space<vmem>>) attributes {dimension_semantics = [], scalar_prefetch = 0 : i64, scratch_operands = 0 : i64, tpu.core_type = #tpu.core_type<tc>} {
    %get3A = arith.constant 0 : index
    %get3A_0 = arith.constant 0 : index
    %get3A_1 = vector.load %arg0[%get3A, %get3A_0] : memref<8192x3xf32, #tpu.memory_space<vmem>>, vector<8192x3xf32>
    %get3A_2 = arith.constant 0 : index
    %get3A_3 = arith.constant 0 : index
    %get3A_4 = vector.load %arg1[%get3A_2, %get3A_3] : memref<3x128xf32, #tpu.memory_space<vmem>>, vector<3x128xf32>
    %convert_element_type3A = arith.truncf %get3A_1 : vector<8192x3xf32> to vector<8192x3xbf16>
    %convert_element_type3A_5 = arith.truncf %get3A_4 : vector<3x128xf32> to vector<3x128xbf16>
    %dot_general3A = arith.constant dense<0.000000e+00> : vector<8192x128xf32>
    %dot_general3A_6 = tpu.matmul %convert_element_type3A, %convert_element_type3A_5, %dot_general3A {dimension_numbers = #tpu.dot_dimension_numbers<[1], [0], [0], [1], [0, 0, 1, 1], [], []>, transpose_lhs_hint = false} : vector<8192x3xbf16>, vector<3x128xbf16>, vector<8192x128xf32> -> vector<8192x128xf32>
    %get3A_7 = arith.constant 0 : index
    %get3A_8 = arith.constant 0 : index
    %get3A_9 = vector.load %arg2[%get3A_7, %get3A_8] : memref<1x128xf32, #tpu.memory_space<vmem>>, vector<1x128xf32>
    %add3A = vector.broadcast %get3A_9 : vector<1x128xf32> to vector<8192x128xf32>
    %add3A_10 = arith.addf %dot_general3A_6, %add3A : vector<8192x128xf32>
    %swap3A = arith.constant 0 : index
    %swap3A_11 = arith.constant 0 : index
    %swap3A_12 = vector.load %arg3[%swap3A, %swap3A_11] : memref<8192x128xf32, #tpu.memory_space<vmem>>, vector<8192x128xf32>
    tpu.vector_store %arg3[%swap3A, %swap3A_11], %add3A_10 {strides = array<i32>} : memref<8192x128xf32, #tpu.memory_space<vmem>>, vector<8192x128xf32>,
    return
  }
}

module attributes {stable_mosaic.version = 14 : i64} {
  func.func @_qkv_knl(%arg0: memref<8192x128xf32, #tpu.memory_space<vmem>>, %arg1: memref<128x128xf32, #tpu.memory_space<vmem>>, %arg2: memref<1x128xf32, #tpu.memory_space<vmem>>, %arg3: memref<128x128xf32, #tpu.memory_space<vmem>>, %arg4: memref<1x128xf32, #tpu.memory_space<vmem>>, %arg5: memref<128x128xf32, #tpu.memory_space<vmem>>, %arg6: memref<1x128xf32, #tpu.memory_space<vmem>>, %arg7: memref<8192x128xf32, #tpu.memory_space<vmem>>, %arg8: memref<8192x128xf32, #tpu.memory_space<vmem>>, %arg9: memref<8192x128xf32, #tpu.memory_space<vmem>>) attributes {dimension_semantics = [], scalar_prefetch = 0 : i64, scratch_operands = 0 : i64, tpu.core_type = #tpu.core_type<tc>} {
    %get3A = arith.constant 0 : index
    %get3A_0 = arith.constant 0 : index
    %get3A_1 = vector.load %arg0[%get3A, %get3A_0] : memref<8192x128xf32, #tpu.memory_space<vmem>>, vector<8192x128xf32>
    %get3A_2 = arith.constant 0 : index
    %get3A_3 = arith.constant 0 : index
    %get3A_4 = vector.load %arg1[%get3A_2, %get3A_3] : memref<128x128xf32, #tpu.memory_space<vmem>>, vector<128x128xf32>
    %convert_element_type3A = arith.truncf %get3A_1 : vector<8192x128xf32> to vector<8192x128xbf16>
    %convert_element_type3A_5 = arith.truncf %get3A_4 : vector<128x128xf32> to vector<128x128xbf16>
    %dot_general3A = arith.constant dense<0.000000e+00> : vector<8192x128xf32>
    %dot_general3A_6 = tpu.matmul %convert_element_type3A, %convert_element_type3A_5, %dot_general3A {dimension_numbers = #tpu.dot_dimension_numbers<[1], [0], [0], [1], [0, 0, 1, 1], [], []>, transpose_lhs_hint = false} : vector<8192x128xbf16>, vector<128x128xbf16>, vector<8192x128xf32> -> vector<8192x128xf32>
    %get3A_7 = arith.constant 0 : index
    %get3A_8 = arith.constant 0 : index
    %get3A_9 = vector.load %arg2[%get3A_7, %get3A_8] : memref<1x128xf32, #tpu.memory_space<vmem>>, vector<1x128xf32>
    %add3A = vector.broadcast %get3A_9 : vector<1x128xf32> to vector<8192x128xf32>
    %add3A_10 = arith.addf %dot_general3A_6, %add3A : vector<8192x128xf32>
    %swap3A = arith.constant 0 : index
    %swap3A_11 = arith.constant 0 : index
    %swap3A_12 = vector.load %arg7[%swap3A, %swap3A_11] : memref<8192x128xf32, #tpu.memory_space<vmem>>, vector<8192x128xf32>
    tpu.vector_store %arg7[%swap3A, %swap3A_11], %add3A_10 {strides = array<i32>} : memref<8192x128xf32, #tpu.memory_space<vmem>>, vector<8192x128xf32>,
    %get3A_13 = arith.constant 0 : index
    %get3A_14 = arith.constant 0 : index
    %get3A_15 = vector.load %arg3[%get3A_13, %get3A_14] : memref<128x128xf32, #tpu.memory_space<vmem>>, vector<128x128xf32>
    %convert_element_type3A_16 = arith.truncf %get3A_1 : vector<8192x128xf32> to vector<8192x128xbf16>
    %convert_element_type3A_17 = arith.truncf %get3A_15 : vector<128x128xf32> to vector<128x128xbf16>
    %dot_general3A_18 = arith.constant dense<0.000000e+00> : vector<8192x128xf32>
    %dot_general3A_19 = tpu.matmul %convert_element_type3A_16, %convert_element_type3A_17, %dot_general3A_18 {dimension_numbers = #tpu.dot_dimension_numbers<[1], [0], [0], [1], [0, 0, 1, 1], [], []>, transpose_lhs_hint = false} : vector<8192x128xbf16>, vector<128x128xbf16>, vector<8192x128xf32> -> vector<8192x128xf32>
    %get3A_20 = arith.constant 0 : index
    %get3A_21 = arith.constant 0 : index
    %get3A_22 = vector.load %arg4[%get3A_20, %get3A_21] : memref<1x128xf32, #tpu.memory_space<vmem>>, vector<1x128xf32>
    %add3A_23 = vector.broadcast %get3A_22 : vector<1x128xf32> to vector<8192x128xf32>
    %add3A_24 = arith.addf %dot_general3A_19, %add3A_23 : vector<8192x128xf32>
    %swap3A_25 = arith.constant 0 : index
    %swap3A_26 = arith.constant 0 : index
    %swap3A_27 = vector.load %arg8[%swap3A_25, %swap3A_26] : memref<8192x128xf32, #tpu.memory_space<vmem>>, vector<8192x128xf32>
    tpu.vector_store %arg8[%swap3A_25, %swap3A_26], %add3A_24 {strides = array<i32>} : memref<8192x128xf32, #tpu.memory_space<vmem>>, vector<8192x128xf32>,
    %get3A_28 = arith.constant 0 : index
    %get3A_29 = arith.constant 0 : index
    %get3A_30 = vector.load %arg5[%get3A_28, %get3A_29] : memref<128x128xf32, #tpu.memory_space<vmem>>, vector<128x128xf32>
    %convert_element_type3A_31 = arith.truncf %get3A_1 : vector<8192x128xf32> to vector<8192x128xbf16>
    %convert_element_type3A_32 = arith.truncf %get3A_30 : vector<128x128xf32> to vector<128x128xbf16>
    %dot_general3A_33 = arith.constant dense<0.000000e+00> : vector<8192x128xf32>
    %dot_general3A_34 = tpu.matmul %convert_element_type3A_31, %convert_element_type3A_32, %dot_general3A_33 {dimension_numbers = #tpu.dot_dimension_numbers<[1], [0], [0], [1], [0, 0, 1, 1], [], []>, transpose_lhs_hint = false} : vector<8192x128xbf16>, vector<128x128xbf16>, vector<8192x128xf32> -> vector<8192x128xf32>
    %get3A_35 = arith.constant 0 : index
    %get3A_36 = arith.constant 0 : index
    %get3A_37 = vector.load %arg6[%get3A_35, %get3A_36] : memref<1x128xf32, #tpu.memory_space<vmem>>, vector<1x128xf32>
    %add3A_38 = vector.broadcast %get3A_37 : vector<1x128xf32> to vector<8192x128xf32>
    %add3A_39 = arith.addf %dot_general3A_34, %add3A_38 : vector<8192x128xf32>
    %swap3A_40 = arith.constant 0 : index
    %swap3A_41 = arith.constant 0 : index
    %swap3A_42 = vector.load %arg9[%swap3A_40, %swap3A_41] : memref<8192x128xf32, #tpu.memory_space<vmem>>, vector<8192x128xf32>
    tpu.vector_store %arg9[%swap3A_40, %swap3A_41], %add3A_39 {strides = array<i32>} : memref<8192x128xf32, #tpu.memory_space<vmem>>, vector<8192x128xf32>,
    return
  }
}

module attributes {stable_mosaic.version = 14 : i64} {
  func.func @_gat_knl(%arg0: i32, %arg1: i32, %arg2: memref<1x2048x1xi32, #tpu.memory_space<vmem>>, %arg3: memref<1x2048x256xbf16, #tpu.memory_space<vmem>>, %arg4: memref<1x2048x256xbf16, #tpu.memory_space<vmem>>, %arg5: memref<1x2048x256xbf16, #tpu.memory_space<vmem>>, %arg6: memref<1x2048x128xf32, #tpu.memory_space<vmem>>, %arg7: memref<1x2048x128xf32, #tpu.memory_space<vmem>>) attributes {dimension_semantics = [#tpu.dimension_semantics<arbitrary>, #tpu.dimension_semantics<arbitrary>], iteration_bounds = array<i64: 4, 32>, scalar_prefetch = 0 : i64, scratch_operands = 0 : i64, tpu.core_type = #tpu.core_type<tc>, window_params = [{transform_indices = @transform_0, window_bounds = array<i64: 1, 2048, 1>}, {transform_indices = @transform_1, window_bounds = array<i64: 1, 2048, 256>}, {transform_indices = @transform_2, window_bounds = array<i64: 1, 2048, 256>}, {transform_indices = @transform_3, window_bounds = array<i64: 1, 2048, 256>}, {transform_indices = @transform_4, window_bounds = array<i64: 1, 2048, 128>}, {transform_indices = @transform_5, window_bounds = array<i64: 1, 2048, 128>}]} {
    %get3A = arith.constant 0 : index
    %get3A_0 = arith.constant 0 : index
    %get3A_1 = arith.constant 0 : index
    %get3A_2 = vector.load %arg2[%get3A, %get3A_0, %get3A_1] : memref<1x2048x1xi32, #tpu.memory_space<vmem>>, vector<1x2048x1xi32>
    %get3A_3 = vector.shape_cast %get3A_2 : vector<1x2048x1xi32> to vector<2048x1xi32>
    %iota3A = tpu.iota {dimensions = array<i32: 1>} : vector<2048x2048xi32>
    %eq3A = vector.broadcast %get3A_3 : vector<2048x1xi32> to vector<2048x2048xi32>
    %eq3A_4 = arith.cmpi eq, %eq3A, %iota3A : vector<2048x2048xi32>
    %convert_element_type3A = arith.extui %eq3A_4 : vector<2048x2048xi1> to vector<2048x2048xi32>
    %convert_element_type3A_5 = arith.sitofp %convert_element_type3A : vector<2048x2048xi32> to vector<2048x2048xf32>
    %convert_element_type3A_6 = arith.truncf %convert_element_type3A_5 : vector<2048x2048xf32> to vector<2048x2048xbf16>
    %get3A_7 = arith.constant 0 : index
    %get3A_8 = arith.constant 0 : index
    %get3A_9 = arith.constant 0 : index
    %get3A_10 = vector.load %arg3[%get3A_7, %get3A_8, %get3A_9] : memref<1x2048x256xbf16, #tpu.memory_space<vmem>>, vector<1x2048x256xbf16>
    %get3A_11 = vector.shape_cast %get3A_10 : vector<1x2048x256xbf16> to vector<2048x256xbf16>
    %dot_general3A = arith.constant dense<0.000000e+00> : vector<2048x256xf32>
    %dot_general3A_12 = tpu.matmul %convert_element_type3A_6, %get3A_11, %dot_general3A {dimension_numbers = #tpu.dot_dimension_numbers<[1], [0], [0], [1], [0, 0, 1, 1], [], []>, transpose_lhs_hint = false} : vector<2048x2048xbf16>, vector<2048x256xbf16>, vector<2048x256xf32> -> vector<2048x256xf32>
    %get3A_13 = arith.constant 0 : index
    %get3A_14 = arith.constant 0 : index
    %get3A_15 = arith.constant 0 : index
    %get3A_16 = vector.load %arg4[%get3A_13, %get3A_14, %get3A_15] : memref<1x2048x256xbf16, #tpu.memory_space<vmem>>, vector<1x2048x256xbf16>
    %get3A_17 = vector.shape_cast %get3A_16 : vector<1x2048x256xbf16> to vector<2048x256xbf16>
    %dot_general3A_18 = arith.constant dense<0.000000e+00> : vector<2048x256xf32>
    %dot_general3A_19 = tpu.matmul %convert_element_type3A_6, %get3A_17, %dot_general3A_18 {dimension_numbers = #tpu.dot_dimension_numbers<[1], [0], [0], [1], [0, 0, 1, 1], [], []>, transpose_lhs_hint = false} : vector<2048x2048xbf16>, vector<2048x256xbf16>, vector<2048x256xf32> -> vector<2048x256xf32>
    %get3A_20 = arith.constant 0 : index
    %get3A_21 = arith.constant 0 : index
    %get3A_22 = arith.constant 0 : index
    %get3A_23 = vector.load %arg5[%get3A_20, %get3A_21, %get3A_22] : memref<1x2048x256xbf16, #tpu.memory_space<vmem>>, vector<1x2048x256xbf16>
    %get3A_24 = vector.shape_cast %get3A_23 : vector<1x2048x256xbf16> to vector<2048x256xbf16>
    %dot_general3A_25 = arith.constant dense<0.000000e+00> : vector<2048x256xf32>
    %dot_general3A_26 = tpu.matmul %convert_element_type3A_6, %get3A_24, %dot_general3A_25 {dimension_numbers = #tpu.dot_dimension_numbers<[1], [0], [0], [1], [0, 0, 1, 1], [], []>, transpose_lhs_hint = false} : vector<2048x2048xbf16>, vector<2048x256xbf16>, vector<2048x256xf32> -> vector<2048x256xf32>
    %add3A = arith.addf %dot_general3A_12, %dot_general3A_19 : vector<2048x256xf32>
    %add3A_27 = arith.addf %add3A, %dot_general3A_26 : vector<2048x256xf32>
    %slice3A = vector.extract_strided_slice %add3A_27 {offsets = [0, 0], sizes = [2048, 128], strides = [1, 1]} : vector<2048x256xf32> to vector<2048x128xf32>
    %swap3A = arith.constant 0 : index
    %swap3A_28 = arith.constant 0 : index
    %swap3A_29 = arith.constant 0 : index
    %swap3A_30 = vector.load %arg6[%swap3A, %swap3A_28, %swap3A_29] : memref<1x2048x128xf32, #tpu.memory_space<vmem>>, vector<1x2048x128xf32>
    %swap3A_31 = vector.shape_cast %swap3A_30 : vector<1x2048x128xf32> to vector<2048x128xf32>
    %swap3A_32 = vector.shape_cast %slice3A : vector<2048x128xf32> to vector<1x2048x128xf32>
    tpu.vector_store %arg6[%swap3A, %swap3A_28, %swap3A_29], %swap3A_32 {strides = array<i32>} : memref<1x2048x128xf32, #tpu.memory_space<vmem>>, vector<1x2048x128xf32>,
    %slice3A_33 = vector.extract_strided_slice %add3A_27 {offsets = [0, 128], sizes = [2048, 128], strides = [1, 1]} : vector<2048x256xf32> to vector<2048x128xf32>
    %swap3A_34 = arith.constant 0 : index
    %swap3A_35 = arith.constant 0 : index
    %swap3A_36 = arith.constant 0 : index
    %swap3A_37 = vector.load %arg7[%swap3A_34, %swap3A_35, %swap3A_36] : memref<1x2048x128xf32, #tpu.memory_space<vmem>>, vector<1x2048x128xf32>
    %swap3A_38 = vector.shape_cast %swap3A_37 : vector<1x2048x128xf32> to vector<2048x128xf32>
    %swap3A_39 = vector.shape_cast %slice3A_33 : vector<2048x128xf32> to vector<1x2048x128xf32>
    tpu.vector_store %arg7[%swap3A_34, %swap3A_35, %swap3A_36], %swap3A_39 {strides = array<i32>} : memref<1x2048x128xf32, #tpu.memory_space<vmem>>, vector<1x2048x128xf32>,
    return
  }
  func.func @transform_0(%arg0: i32, %arg1: i32) -> (i32, i32, i32) {
    %mul3A = arith.constant 32 : i32
    %mul3A_0 = arith.muli %arg0, %mul3A : i32
    %add3A = arith.addi %mul3A_0, %arg1 : i32
    %c0_i32 = arith.constant 0 : i32
    %c0_i32_1 = arith.constant 0 : i32
    %c0_i32_2 = arith.constant 0 : i32
    return %add3A, %c0_i32, %c0_i32_1 : i32, i32, i32
  }
  func.func @transform_1(%arg0: i32, %arg1: i32) -> (i32, i32, i32) {
    %c0_i32 = arith.constant 0 : i32
    %c0_i32_0 = arith.constant 0 : i32
    %c0_i32_1 = arith.constant 0 : i32
    return %arg0, %c0_i32, %c0_i32_0 : i32, i32, i32
  }
  func.func @transform_2(%arg0: i32, %arg1: i32) -> (i32, i32, i32) {
    %c0_i32 = arith.constant 0 : i32
    %c0_i32_0 = arith.constant 0 : i32
    %c0_i32_1 = arith.constant 0 : i32
    return %arg0, %c0_i32, %c0_i32_0 : i32, i32, i32
  }
  func.func @transform_3(%arg0: i32, %arg1: i32) -> (i32, i32, i32) {
    %c0_i32 = arith.constant 0 : i32
    %c0_i32_0 = arith.constant 0 : i32
    %c0_i32_1 = arith.constant 0 : i32
    return %arg0, %c0_i32, %c0_i32_0 : i32, i32, i32
  }
  func.func @transform_4(%arg0: i32, %arg1: i32) -> (i32, i32, i32) {
    %c0_i32 = arith.constant 0 : i32
    %c0_i32_0 = arith.constant 0 : i32
    return %arg0, %arg1, %c0_i32 : i32, i32, i32
  }
  func.func @transform_5(%arg0: i32, %arg1: i32) -> (i32, i32, i32) {
    %c0_i32 = arith.constant 0 : i32
    %c0_i32_0 = arith.constant 0 : i32
    return %arg0, %arg1, %c0_i32 : i32, i32, i32
  }
}

module attributes {stable_mosaic.version = 14 : i64} {
  func.func @_res_knl(%arg0: memref<8192x128xf32, #tpu.memory_space<vmem>>, %arg1: memref<8192x128xf32, #tpu.memory_space<vmem>>, %arg2: memref<128x128xf32, #tpu.memory_space<vmem>>, %arg3: memref<1x128xf32, #tpu.memory_space<vmem>>, %arg4: memref<8192x128xf32, #tpu.memory_space<vmem>>) attributes {dimension_semantics = [], scalar_prefetch = 0 : i64, scratch_operands = 0 : i64, tpu.core_type = #tpu.core_type<tc>} {
    %get3A = arith.constant 0 : index
    %get3A_0 = arith.constant 0 : index
    %get3A_1 = vector.load %arg0[%get3A, %get3A_0] : memref<8192x128xf32, #tpu.memory_space<vmem>>, vector<8192x128xf32>
    %get3A_2 = arith.constant 0 : index
    %get3A_3 = arith.constant 0 : index
    %get3A_4 = vector.load %arg1[%get3A_2, %get3A_3] : memref<8192x128xf32, #tpu.memory_space<vmem>>, vector<8192x128xf32>
    %get3A_5 = arith.constant 0 : index
    %get3A_6 = arith.constant 0 : index
    %get3A_7 = vector.load %arg2[%get3A_5, %get3A_6] : memref<128x128xf32, #tpu.memory_space<vmem>>, vector<128x128xf32>
    %convert_element_type3A = arith.truncf %get3A_4 : vector<8192x128xf32> to vector<8192x128xbf16>
    %convert_element_type3A_8 = arith.truncf %get3A_7 : vector<128x128xf32> to vector<128x128xbf16>
    %dot_general3A = arith.constant dense<0.000000e+00> : vector<8192x128xf32>
    %dot_general3A_9 = tpu.matmul %convert_element_type3A, %convert_element_type3A_8, %dot_general3A {dimension_numbers = #tpu.dot_dimension_numbers<[1], [0], [0], [1], [0, 0, 1, 1], [], []>, transpose_lhs_hint = false} : vector<8192x128xbf16>, vector<128x128xbf16>, vector<8192x128xf32> -> vector<8192x128xf32>
    %add3A = arith.addf %get3A_1, %dot_general3A_9 : vector<8192x128xf32>
    %get3A_10 = arith.constant 0 : index
    %get3A_11 = arith.constant 0 : index
    %get3A_12 = vector.load %arg3[%get3A_10, %get3A_11] : memref<1x128xf32, #tpu.memory_space<vmem>>, vector<1x128xf32>
    %add3A_13 = vector.broadcast %get3A_12 : vector<1x128xf32> to vector<8192x128xf32>
    %add3A_14 = arith.addf %add3A, %add3A_13 : vector<8192x128xf32>
    %swap3A = arith.constant 0 : index
    %swap3A_15 = arith.constant 0 : index
    %swap3A_16 = vector.load %arg4[%swap3A, %swap3A_15] : memref<8192x128xf32, #tpu.memory_space<vmem>>, vector<8192x128xf32>
    tpu.vector_store %arg4[%swap3A, %swap3A_15], %add3A_14 {strides = array<i32>} : memref<8192x128xf32, #tpu.memory_space<vmem>>, vector<8192x128xf32>,
    return
  }
}

module attributes {stable_mosaic.version = 14 : i64} {
  func.func @_ff_knl(%arg0: memref<8192x128xf32, #tpu.memory_space<vmem>>, %arg1: memref<128x512xf32, #tpu.memory_space<vmem>>, %arg2: memref<1x512xf32, #tpu.memory_space<vmem>>, %arg3: memref<512x128xf32, #tpu.memory_space<vmem>>, %arg4: memref<1x128xf32, #tpu.memory_space<vmem>>, %arg5: memref<128x64xf32, #tpu.memory_space<vmem>>, %arg6: memref<1x64xf32, #tpu.memory_space<vmem>>, %arg7: memref<8192x128xf32, #tpu.memory_space<vmem>>, %arg8: memref<8192x64xf32, #tpu.memory_space<vmem>>) attributes {dimension_semantics = [], scalar_prefetch = 0 : i64, scratch_operands = 0 : i64, tpu.core_type = #tpu.core_type<tc>} {
    %get3A = arith.constant 0 : index
    %get3A_0 = arith.constant 0 : index
    %get3A_1 = vector.load %arg0[%get3A, %get3A_0] : memref<8192x128xf32, #tpu.memory_space<vmem>>, vector<8192x128xf32>
    %get3A_2 = arith.constant 0 : index
    %get3A_3 = arith.constant 0 : index
    %get3A_4 = vector.load %arg1[%get3A_2, %get3A_3] : memref<128x512xf32, #tpu.memory_space<vmem>>, vector<128x512xf32>
    %convert_element_type3A = arith.truncf %get3A_1 : vector<8192x128xf32> to vector<8192x128xbf16>
    %convert_element_type3A_5 = arith.truncf %get3A_4 : vector<128x512xf32> to vector<128x512xbf16>
    %dot_general3A = arith.constant dense<0.000000e+00> : vector<8192x512xf32>
    %dot_general3A_6 = tpu.matmul %convert_element_type3A, %convert_element_type3A_5, %dot_general3A {dimension_numbers = #tpu.dot_dimension_numbers<[1], [0], [0], [1], [0, 0, 1, 1], [], []>, transpose_lhs_hint = false} : vector<8192x128xbf16>, vector<128x512xbf16>, vector<8192x512xf32> -> vector<8192x512xf32>
    %get3A_7 = arith.constant 0 : index
    %get3A_8 = arith.constant 0 : index
    %get3A_9 = vector.load %arg2[%get3A_7, %get3A_8] : memref<1x512xf32, #tpu.memory_space<vmem>>, vector<1x512xf32>
    %add3A = vector.broadcast %get3A_9 : vector<1x512xf32> to vector<8192x512xf32>
    %add3A_10 = arith.addf %dot_general3A_6, %add3A : vector<8192x512xf32>
    %max3A = arith.constant 0.000000e+00 : f32
    %max3A_11 = vector.broadcast %max3A : f32 to vector<8192x512xf32>
    %max3A_12 = arith.maximumf %add3A_10, %max3A_11 : vector<8192x512xf32>
    %get3A_13 = arith.constant 0 : index
    %get3A_14 = arith.constant 0 : index
    %get3A_15 = vector.load %arg3[%get3A_13, %get3A_14] : memref<512x128xf32, #tpu.memory_space<vmem>>, vector<512x128xf32>
    %convert_element_type3A_16 = arith.truncf %max3A_12 : vector<8192x512xf32> to vector<8192x512xbf16>
    %convert_element_type3A_17 = arith.truncf %get3A_15 : vector<512x128xf32> to vector<512x128xbf16>
    %dot_general3A_18 = arith.constant dense<0.000000e+00> : vector<8192x128xf32>
    %dot_general3A_19 = tpu.matmul %convert_element_type3A_16, %convert_element_type3A_17, %dot_general3A_18 {dimension_numbers = #tpu.dot_dimension_numbers<[1], [0], [0], [1], [0, 0, 1, 1], [], []>, transpose_lhs_hint = false} : vector<8192x512xbf16>, vector<512x128xbf16>, vector<8192x128xf32> -> vector<8192x128xf32>
    %add3A_20 = arith.addf %get3A_1, %dot_general3A_19 : vector<8192x128xf32>
    %get3A_21 = arith.constant 0 : index
    %get3A_22 = arith.constant 0 : index
    %get3A_23 = vector.load %arg4[%get3A_21, %get3A_22] : memref<1x128xf32, #tpu.memory_space<vmem>>, vector<1x128xf32>
    %add3A_24 = vector.broadcast %get3A_23 : vector<1x128xf32> to vector<8192x128xf32>
    %add3A_25 = arith.addf %add3A_20, %add3A_24 : vector<8192x128xf32>
    %swap3A = arith.constant 0 : index
    %swap3A_26 = arith.constant 0 : index
    %swap3A_27 = vector.load %arg7[%swap3A, %swap3A_26] : memref<8192x128xf32, #tpu.memory_space<vmem>>, vector<8192x128xf32>
    tpu.vector_store %arg7[%swap3A, %swap3A_26], %add3A_25 {strides = array<i32>} : memref<8192x128xf32, #tpu.memory_space<vmem>>, vector<8192x128xf32>,
    %get3A_28 = arith.constant 0 : index
    %get3A_29 = arith.constant 0 : index
    %get3A_30 = vector.load %arg5[%get3A_28, %get3A_29] : memref<128x64xf32, #tpu.memory_space<vmem>>, vector<128x64xf32>
    %convert_element_type3A_31 = arith.truncf %add3A_25 : vector<8192x128xf32> to vector<8192x128xbf16>
    %convert_element_type3A_32 = arith.truncf %get3A_30 : vector<128x64xf32> to vector<128x64xbf16>
    %dot_general3A_33 = arith.constant dense<0.000000e+00> : vector<8192x64xf32>
    %dot_general3A_34 = tpu.matmul %convert_element_type3A_31, %convert_element_type3A_32, %dot_general3A_33 {dimension_numbers = #tpu.dot_dimension_numbers<[1], [0], [0], [1], [0, 0, 1, 1], [], []>, transpose_lhs_hint = false} : vector<8192x128xbf16>, vector<128x64xbf16>, vector<8192x64xf32> -> vector<8192x64xf32>
    %get3A_35 = arith.constant 0 : index
    %get3A_36 = arith.constant 0 : index
    %get3A_37 = vector.load %arg6[%get3A_35, %get3A_36] : memref<1x64xf32, #tpu.memory_space<vmem>>, vector<1x64xf32>
    %add3A_38 = vector.broadcast %get3A_37 : vector<1x64xf32> to vector<8192x64xf32>
    %add3A_39 = arith.addf %dot_general3A_34, %add3A_38 : vector<8192x64xf32>
    %tanh3A = math.tanh %add3A_39 : vector<8192x64xf32>
    %swap3A_40 = arith.constant 0 : index
    %swap3A_41 = arith.constant 0 : index
    %swap3A_42 = vector.load %arg8[%swap3A_40, %swap3A_41] : memref<8192x64xf32, #tpu.memory_space<vmem>>, vector<8192x64xf32>
    tpu.vector_store %arg8[%swap3A_40, %swap3A_41], %tanh3A {strides = array<i32>} : memref<8192x64xf32, #tpu.memory_space<vmem>>, vector<8192x64xf32>,
    return
  }
}

module attributes {stable_mosaic.version = 14 : i64} {
  func.func @_pool_knl(%arg0: i32, %arg1: memref<1x2048x128xf32, #tpu.memory_space<vmem>>, %arg2: memref<1x2048x1xf32, #tpu.memory_space<vmem>>, %arg3: memref<1x1x2048xf32, #tpu.memory_space<vmem>>, %arg4: memref<1x2048x8xf32, #tpu.memory_space<vmem>>, %arg5: memref<128x256xf32, #tpu.memory_space<vmem>>, %arg6: memref<1x256xf32, #tpu.memory_space<vmem>>, %arg7: memref<1x512x256xf32, #tpu.memory_space<vmem>>, %arg8: memref<1x512x8xf32, #tpu.memory_space<vmem>>, %arg9: memref<1x512x1xf32, #tpu.memory_space<vmem>>, %arg10: memref<1x512x1xi32, #tpu.memory_space<vmem>>) attributes {dimension_semantics = [#tpu.dimension_semantics<arbitrary>], iteration_bounds = array<i64: 4>, scalar_prefetch = 0 : i64, scratch_operands = 0 : i64, tpu.core_type = #tpu.core_type<tc>, window_params = [{transform_indices = @transform_0, window_bounds = array<i64: 1, 2048, 128>}, {transform_indices = @transform_1, window_bounds = array<i64: 1, 2048, 1>}, {transform_indices = @transform_2, window_bounds = array<i64: 1, 1, 2048>}, {transform_indices = @transform_3, window_bounds = array<i64: 1, 2048, 8>}, {pipeline_mode = #tpu.pipeline_mode<synchronous>, transform_indices = @transform_4, window_bounds = array<i64: 128, 256>}, {pipeline_mode = #tpu.pipeline_mode<synchronous>, transform_indices = @transform_5, window_bounds = array<i64: 1, 256>}, {transform_indices = @transform_6, window_bounds = array<i64: 1, 512, 256>}, {transform_indices = @transform_7, window_bounds = array<i64: 1, 512, 8>}, {transform_indices = @transform_8, window_bounds = array<i64: 1, 512, 1>}, {transform_indices = @transform_9, window_bounds = array<i64: 1, 512, 1>}]} {
    %get3A = arith.constant 0 : index
    %get3A_0 = arith.constant 0 : index
    %get3A_1 = arith.constant 0 : index
    %get3A_2 = vector.load %arg2[%get3A, %get3A_0, %get3A_1] : memref<1x2048x1xf32, #tpu.memory_space<vmem>>, vector<1x2048x1xf32>
    %get3A_3 = vector.shape_cast %get3A_2 : vector<1x2048x1xf32> to vector<2048x1xf32>
    %get3A_4 = arith.constant 0 : index
    %get3A_5 = arith.constant 0 : index
    %get3A_6 = arith.constant 0 : index
    %get3A_7 = vector.load %arg3[%get3A_4, %get3A_5, %get3A_6] : memref<1x1x2048xf32, #tpu.memory_space<vmem>>, vector<1x1x2048xf32>
    %get3A_8 = vector.shape_cast %get3A_7 : vector<1x1x2048xf32> to vector<1x2048xf32>
    %slice3A = vector.extract_strided_slice %get3A_8 {offsets = [0, 0], sizes = [1, 512], strides = [1, 1]} : vector<1x2048xf32> to vector<1x512xf32>
    %gt3A = vector.broadcast %get3A_3 : vector<2048x1xf32> to vector<2048x512xf32>
    %gt3A_9 = vector.broadcast %slice3A : vector<1x512xf32> to vector<2048x512xf32>
    %gt3A_10 = arith.cmpf ogt, %gt3A, %gt3A_9 : vector<2048x512xf32>
    %convert_element_type3A = arith.extui %gt3A_10 : vector<2048x512xi1> to vector<2048x512xi32>
    %convert_element_type3A_11 = arith.sitofp %convert_element_type3A : vector<2048x512xi32> to vector<2048x512xf32>
    %eq3A = vector.broadcast %get3A_3 : vector<2048x1xf32> to vector<2048x512xf32>
    %eq3A_12 = vector.broadcast %slice3A : vector<1x512xf32> to vector<2048x512xf32>
    %eq3A_13 = arith.cmpf oeq, %eq3A, %eq3A_12 : vector<2048x512xf32>
    %iota3A = tpu.iota {dimensions = array<i32: 0>} : vector<2048x512xi32>
    %iota3A_14 = tpu.iota {dimensions = array<i32: 1>} : vector<2048x512xi32>
    %add3A = arith.constant 0 : i32
    %add3A_15 = vector.broadcast %add3A : i32 to vector<2048x512xi32>
    %add3A_16 = arith.addi %iota3A_14, %add3A_15 : vector<2048x512xi32>
    %lt3A = arith.cmpi slt, %iota3A, %add3A_16 : vector<2048x512xi32>
    %convert_element_type3A_17 = arith.extui %lt3A : vector<2048x512xi1> to vector<2048x512xi32>
    %convert_element_type3A_18 = arith.sitofp %convert_element_type3A_17 : vector<2048x512xi32> to vector<2048x512xf32>
    %jit3A = arith.constant 0.000000e+00 : f32
    %broadcast_in_dim3A = vector.broadcast %jit3A : f32 to vector<2048x512xf32>
    %select_n3A = arith.select %eq3A_13, %convert_element_type3A_18, %broadcast_in_dim3A : vector<2048x512xi1>, vector<2048x512xf32>
    %add3A_19 = arith.addf %convert_element_type3A_11, %select_n3A : vector<2048x512xf32>
    %reduce_sum3A = arith.constant dense<0.000000e+00> : vector<512xf32>
    %reduce_sum3A_20 = vector.multi_reduction <add>, %add3A_19, %reduce_sum3A [0] : vector<2048x512xf32> to vector<512xf32>
    %broadcast_in_dim3A_21 = vector.shape_cast %reduce_sum3A_20 : vector<512xf32> to vector<1x512xf32>
    %slice3A_22 = vector.extract_strided_slice %get3A_8 {offsets = [0, 512], sizes = [1, 512], strides = [1, 1]} : vector<1x2048xf32> to vector<1x512xf32>
    %gt3A_23 = vector.broadcast %get3A_3 : vector<2048x1xf32> to vector<2048x512xf32>
    %gt3A_24 = vector.broadcast %slice3A_22 : vector<1x512xf32> to vector<2048x512xf32>
    %gt3A_25 = arith.cmpf ogt, %gt3A_23, %gt3A_24 : vector<2048x512xf32>
    %convert_element_type3A_26 = arith.extui %gt3A_25 : vector<2048x512xi1> to vector<2048x512xi32>
    %convert_element_type3A_27 = arith.sitofp %convert_element_type3A_26 : vector<2048x512xi32> to vector<2048x512xf32>
    %eq3A_28 = vector.broadcast %get3A_3 : vector<2048x1xf32> to vector<2048x512xf32>
    %eq3A_29 = vector.broadcast %slice3A_22 : vector<1x512xf32> to vector<2048x512xf32>
    %eq3A_30 = arith.cmpf oeq, %eq3A_28, %eq3A_29 : vector<2048x512xf32>
    %iota3A_31 = tpu.iota {dimensions = array<i32: 0>} : vector<2048x512xi32>
    %iota3A_32 = tpu.iota {dimensions = array<i32: 1>} : vector<2048x512xi32>
    %add3A_33 = arith.constant 512 : i32
    %add3A_34 = vector.broadcast %add3A_33 : i32 to vector<2048x512xi32>
    %add3A_35 = arith.addi %iota3A_32, %add3A_34 : vector<2048x512xi32>
    %lt3A_36 = arith.cmpi slt, %iota3A_31, %add3A_35 : vector<2048x512xi32>
    %convert_element_type3A_37 = arith.extui %lt3A_36 : vector<2048x512xi1> to vector<2048x512xi32>
    %convert_element_type3A_38 = arith.sitofp %convert_element_type3A_37 : vector<2048x512xi32> to vector<2048x512xf32>
    %jit3A_39 = arith.constant 0.000000e+00 : f32
    %broadcast_in_dim3A_40 = vector.broadcast %jit3A_39 : f32 to vector<2048x512xf32>
    %select_n3A_41 = arith.select %eq3A_30, %convert_element_type3A_38, %broadcast_in_dim3A_40 : vector<2048x512xi1>, vector<2048x512xf32>
    %add3A_42 = arith.addf %convert_element_type3A_27, %select_n3A_41 : vector<2048x512xf32>
    %reduce_sum3A_43 = arith.constant dense<0.000000e+00> : vector<512xf32>
    %reduce_sum3A_44 = vector.multi_reduction <add>, %add3A_42, %reduce_sum3A_43 [0] : vector<2048x512xf32> to vector<512xf32>
    %broadcast_in_dim3A_45 = vector.shape_cast %reduce_sum3A_44 : vector<512xf32> to vector<1x512xf32>
    %slice3A_46 = vector.extract_strided_slice %get3A_8 {offsets = [0, 1024], sizes = [1, 512], strides = [1, 1]} : vector<1x2048xf32> to vector<1x512xf32>
    %gt3A_47 = vector.broadcast %get3A_3 : vector<2048x1xf32> to vector<2048x512xf32>
    %gt3A_48 = vector.broadcast %slice3A_46 : vector<1x512xf32> to vector<2048x512xf32>
    %gt3A_49 = arith.cmpf ogt, %gt3A_47, %gt3A_48 : vector<2048x512xf32>
    %convert_element_type3A_50 = arith.extui %gt3A_49 : vector<2048x512xi1> to vector<2048x512xi32>
    %convert_element_type3A_51 = arith.sitofp %convert_element_type3A_50 : vector<2048x512xi32> to vector<2048x512xf32>
    %eq3A_52 = vector.broadcast %get3A_3 : vector<2048x1xf32> to vector<2048x512xf32>
    %eq3A_53 = vector.broadcast %slice3A_46 : vector<1x512xf32> to vector<2048x512xf32>
    %eq3A_54 = arith.cmpf oeq, %eq3A_52, %eq3A_53 : vector<2048x512xf32>
    %iota3A_55 = tpu.iota {dimensions = array<i32: 0>} : vector<2048x512xi32>
    %iota3A_56 = tpu.iota {dimensions = array<i32: 1>} : vector<2048x512xi32>
    %add3A_57 = arith.constant 1024 : i32
    %add3A_58 = vector.broadcast %add3A_57 : i32 to vector<2048x512xi32>
    %add3A_59 = arith.addi %iota3A_56, %add3A_58 : vector<2048x512xi32>
    %lt3A_60 = arith.cmpi slt, %iota3A_55, %add3A_59 : vector<2048x512xi32>
    %convert_element_type3A_61 = arith.extui %lt3A_60 : vector<2048x512xi1> to vector<2048x512xi32>
    %convert_element_type3A_62 = arith.sitofp %convert_element_type3A_61 : vector<2048x512xi32> to vector<2048x512xf32>
    %jit3A_63 = arith.constant 0.000000e+00 : f32
    %broadcast_in_dim3A_64 = vector.broadcast %jit3A_63 : f32 to vector<2048x512xf32>
    %select_n3A_65 = arith.select %eq3A_54, %convert_element_type3A_62, %broadcast_in_dim3A_64 : vector<2048x512xi1>, vector<2048x512xf32>
    %add3A_66 = arith.addf %convert_element_type3A_51, %select_n3A_65 : vector<2048x512xf32>
    %reduce_sum3A_67 = arith.constant dense<0.000000e+00> : vector<512xf32>
    %reduce_sum3A_68 = vector.multi_reduction <add>, %add3A_66, %reduce_sum3A_67 [0] : vector<2048x512xf32> to vector<512xf32>
    %broadcast_in_dim3A_69 = vector.shape_cast %reduce_sum3A_68 : vector<512xf32> to vector<1x512xf32>
    %slice3A_70 = vector.extract_strided_slice %get3A_8 {offsets = [0, 1536], sizes = [1, 512], strides = [1, 1]} : vector<1x2048xf32> to vector<1x512xf32>
    %gt3A_71 = vector.broadcast %get3A_3 : vector<2048x1xf32> to vector<2048x512xf32>
    %gt3A_72 = vector.broadcast %slice3A_70 : vector<1x512xf32> to vector<2048x512xf32>
    %gt3A_73 = arith.cmpf ogt, %gt3A_71, %gt3A_72 : vector<2048x512xf32>
    %convert_element_type3A_74 = arith.extui %gt3A_73 : vector<2048x512xi1> to vector<2048x512xi32>
    %convert_element_type3A_75 = arith.sitofp %convert_element_type3A_74 : vector<2048x512xi32> to vector<2048x512xf32>
    %eq3A_76 = vector.broadcast %get3A_3 : vector<2048x1xf32> to vector<2048x512xf32>
    %eq3A_77 = vector.broadcast %slice3A_70 : vector<1x512xf32> to vector<2048x512xf32>
    %eq3A_78 = arith.cmpf oeq, %eq3A_76, %eq3A_77 : vector<2048x512xf32>
    %iota3A_79 = tpu.iota {dimensions = array<i32: 0>} : vector<2048x512xi32>
    %iota3A_80 = tpu.iota {dimensions = array<i32: 1>} : vector<2048x512xi32>
    %add3A_81 = arith.constant 1536 : i32
    %add3A_82 = vector.broadcast %add3A_81 : i32 to vector<2048x512xi32>
    %add3A_83 = arith.addi %iota3A_80, %add3A_82 : vector<2048x512xi32>
    %lt3A_84 = arith.cmpi slt, %iota3A_79, %add3A_83 : vector<2048x512xi32>
    %convert_element_type3A_85 = arith.extui %lt3A_84 : vector<2048x512xi1> to vector<2048x512xi32>
    %convert_element_type3A_86 = arith.sitofp %convert_element_type3A_85 : vector<2048x512xi32> to vector<2048x512xf32>
    %jit3A_87 = arith.constant 0.000000e+00 : f32
    %broadcast_in_dim3A_88 = vector.broadcast %jit3A_87 : f32 to vector<2048x512xf32>
    %select_n3A_89 = arith.select %eq3A_78, %convert_element_type3A_86, %broadcast_in_dim3A_88 : vector<2048x512xi1>, vector<2048x512xf32>
    %add3A_90 = arith.addf %convert_element_type3A_75, %select_n3A_89 : vector<2048x512xf32>
    %reduce_sum3A_91 = arith.constant dense<0.000000e+00> : vector<512xf32>
    %reduce_sum3A_92 = vector.multi_reduction <add>, %add3A_90, %reduce_sum3A_91 [0] : vector<2048x512xf32> to vector<512xf32>
    %broadcast_in_dim3A_93 = vector.shape_cast %reduce_sum3A_92 : vector<512xf32> to vector<1x512xf32>
    %concatenate3A = tpu.concatenate %broadcast_in_dim3A_21, %broadcast_in_dim3A_45, %broadcast_in_dim3A_69, %broadcast_in_dim3A_93 in 1 : vector<1x512xf32>, vector<1x512xf32>, vector<1x512xf32>, vector<1x512xf32> -> vector<1x2048xf32>
    %iota3A_94 = tpu.iota {dimensions = array<i32: 0>} : vector<512x1xi32>
    %convert_element_type3A_95 = arith.sitofp %iota3A_94 : vector<512x1xi32> to vector<512x1xf32>
    %eq3A_96 = vector.broadcast %concatenate3A : vector<1x2048xf32> to vector<512x2048xf32>
    %eq3A_97 = vector.broadcast %convert_element_type3A_95 : vector<512x1xf32> to vector<512x2048xf32>
    %eq3A_98 = arith.cmpf oeq, %eq3A_96, %eq3A_97 : vector<512x2048xf32>
    %convert_element_type3A_99 = arith.extui %eq3A_98 : vector<512x2048xi1> to vector<512x2048xi32>
    %convert_element_type3A_100 = arith.sitofp %convert_element_type3A_99 : vector<512x2048xi32> to vector<512x2048xf32>
    %get3A_101 = arith.constant 0 : index
    %get3A_102 = arith.constant 0 : index
    %get3A_103 = arith.constant 0 : index
    %get3A_104 = vector.load %arg1[%get3A_101, %get3A_102, %get3A_103] : memref<1x2048x128xf32, #tpu.memory_space<vmem>>, vector<1x2048x128xf32>
    %get3A_105 = vector.shape_cast %get3A_104 : vector<1x2048x128xf32> to vector<2048x128xf32>
    %dot_general3A = arith.constant dense<0.000000e+00> : vector<512x128xf32>
    %dot_general3A_106 = tpu.matmul %convert_element_type3A_100, %get3A_105, %dot_general3A {dimension_numbers = #tpu.dot_dimension_numbers<[1], [0], [0], [1], [0, 0, 1, 1], [], []>, precision = #tpu.contract_precision<fp32>, transpose_lhs_hint = false} : vector<512x2048xf32>, vector<2048x128xf32>, vector<512x128xf32> -> vector<512x128xf32>
    %get3A_107 = arith.constant 0 : index
    %get3A_108 = arith.constant 0 : index
    %get3A_109 = arith.constant 0 : index
    %get3A_110 = vector.load %arg4[%get3A_107, %get3A_108, %get3A_109] : memref<1x2048x8xf32, #tpu.memory_space<vmem>>, vector<1x2048x8xf32>
    %get3A_111 = vector.shape_cast %get3A_110 : vector<1x2048x8xf32> to vector<2048x8xf32>
    %dot_general3A_112 = arith.constant dense<0.000000e+00> : vector<512x8xf32>
    %dot_general3A_113 = tpu.matmul %convert_element_type3A_100, %get3A_111, %dot_general3A_112 {dimension_numbers = #tpu.dot_dimension_numbers<[1], [0], [0], [1], [0, 0, 1, 1], [], []>, precision = #tpu.contract_precision<fp32>, transpose_lhs_hint = false} : vector<512x2048xf32>, vector<2048x8xf32>, vector<512x8xf32> -> vector<512x8xf32>
    %dot_general3A_114 = arith.constant dense<0.000000e+00> : vector<512x1xf32>
    %dot_general3A_115 = tpu.matmul %convert_element_type3A_100, %get3A_3, %dot_general3A_114 {dimension_numbers = #tpu.dot_dimension_numbers<[1], [0], [0], [1], [0, 0, 1, 1], [], []>, precision = #tpu.contract_precision<fp32>, transpose_lhs_hint = false} : vector<512x2048xf32>, vector<2048x1xf32>, vector<512x1xf32> -> vector<512x1xf32>
    %iota3A_116 = tpu.iota {dimensions = array<i32: 0>} : vector<2048x1xi32>
    %convert_element_type3A_117 = arith.sitofp %iota3A_116 : vector<2048x1xi32> to vector<2048x1xf32>
    %dot_general3A_118 = arith.constant dense<0.000000e+00> : vector<512x1xf32>
    %dot_general3A_119 = tpu.matmul %convert_element_type3A_100, %convert_element_type3A_117, %dot_general3A_118 {dimension_numbers = #tpu.dot_dimension_numbers<[1], [0], [0], [1], [0, 0, 1, 1], [], []>, precision = #tpu.contract_precision<fp32>, transpose_lhs_hint = false} : vector<512x2048xf32>, vector<2048x1xf32>, vector<512x1xf32> -> vector<512x1xf32>
    %logistic3A = arith.negf %dot_general3A_115 : vector<512x1xf32>
    %logistic3A_120 = math.exp %logistic3A : vector<512x1xf32>
    %logistic3A_121 = arith.constant 1.000000e+00 : f32
    %logistic3A_122 = vector.broadcast %logistic3A_121 : f32 to vector<512x1xf32>
    %logistic3A_123 = arith.addf %logistic3A_122, %logistic3A_120 : vector<512x1xf32>
    %logistic3A_124 = arith.divf %logistic3A_122, %logistic3A_123 : vector<512x1xf32>
    %mul3A = vector.broadcast %logistic3A_124 : vector<512x1xf32> to vector<512x128xf32>
    %mul3A_125 = arith.mulf %dot_general3A_106, %mul3A : vector<512x128xf32>
    %get3A_126 = arith.constant 0 : index
    %get3A_127 = arith.constant 0 : index
    %get3A_128 = vector.load %arg5[%get3A_126, %get3A_127] : memref<128x256xf32, #tpu.memory_space<vmem>>, vector<128x256xf32>
    %convert_element_type3A_129 = arith.truncf %mul3A_125 : vector<512x128xf32> to vector<512x128xbf16>
    %convert_element_type3A_130 = arith.truncf %get3A_128 : vector<128x256xf32> to vector<128x256xbf16>
    %dot_general3A_131 = arith.constant dense<0.000000e+00> : vector<512x256xf32>
    %dot_general3A_132 = tpu.matmul %convert_element_type3A_129, %convert_element_type3A_130, %dot_general3A_131 {dimension_numbers = #tpu.dot_dimension_numbers<[1], [0], [0], [1], [0, 0, 1, 1], [], []>, transpose_lhs_hint = false} : vector<512x128xbf16>, vector<128x256xbf16>, vector<512x256xf32> -> vector<512x256xf32>
    %get3A_133 = arith.constant 0 : index
    %get3A_134 = arith.constant 0 : index
    %get3A_135 = vector.load %arg6[%get3A_133, %get3A_134] : memref<1x256xf32, #tpu.memory_space<vmem>>, vector<1x256xf32>
    %add3A_136 = vector.broadcast %get3A_135 : vector<1x256xf32> to vector<512x256xf32>
    %add3A_137 = arith.addf %dot_general3A_132, %add3A_136 : vector<512x256xf32>
    %swap3A = arith.constant 0 : index
    %swap3A_138 = arith.constant 0 : index
    %swap3A_139 = arith.constant 0 : index
    %swap3A_140 = vector.load %arg7[%swap3A, %swap3A_138, %swap3A_139] : memref<1x512x256xf32, #tpu.memory_space<vmem>>, vector<1x512x256xf32>
    %swap3A_141 = vector.shape_cast %swap3A_140 : vector<1x512x256xf32> to vector<512x256xf32>
    %swap3A_142 = vector.shape_cast %add3A_137 : vector<512x256xf32> to vector<1x512x256xf32>
    tpu.vector_store %arg7[%swap3A, %swap3A_138, %swap3A_139], %swap3A_142 {strides = array<i32>} : memref<1x512x256xf32, #tpu.memory_space<vmem>>, vector<1x512x256xf32>,
    %swap3A_143 = arith.constant 0 : index
    %swap3A_144 = arith.constant 0 : index
    %swap3A_145 = arith.constant 0 : index
    %swap3A_146 = vector.load %arg8[%swap3A_143, %swap3A_144, %swap3A_145] : memref<1x512x8xf32, #tpu.memory_space<vmem>>, vector<1x512x8xf32>
    %swap3A_147 = vector.shape_cast %swap3A_146 : vector<1x512x8xf32> to vector<512x8xf32>
    %swap3A_148 = vector.shape_cast %dot_general3A_113 : vector<512x8xf32> to vector<1x512x8xf32>
    tpu.vector_store %arg8[%swap3A_143, %swap3A_144, %swap3A_145], %swap3A_148 {strides = array<i32>} : memref<1x512x8xf32, #tpu.memory_space<vmem>>, vector<1x512x8xf32>,
    %swap3A_149 = arith.constant 0 : index
    %swap3A_150 = arith.constant 0 : index
    %swap3A_151 = arith.constant 0 : index
    %swap3A_152 = vector.load %arg9[%swap3A_149, %swap3A_150, %swap3A_151] : memref<1x512x1xf32, #tpu.memory_space<vmem>>, vector<1x512x1xf32>
    %swap3A_153 = vector.shape_cast %swap3A_152 : vector<1x512x1xf32> to vector<512x1xf32>
    %swap3A_154 = vector.shape_cast %dot_general3A_115 : vector<512x1xf32> to vector<1x512x1xf32>
    tpu.vector_store %arg9[%swap3A_149, %swap3A_150, %swap3A_151], %swap3A_154 {strides = array<i32>} : memref<1x512x1xf32, #tpu.memory_space<vmem>>, vector<1x512x1xf32>,
    %round3A = math.roundeven %dot_general3A_119 : vector<512x1xf32>
    %convert_element_type3A_155 = arith.fptosi %round3A : vector<512x1xf32> to vector<512x1xi32>
    %swap3A_156 = arith.constant 0 : index
    %swap3A_157 = arith.constant 0 : index
    %swap3A_158 = arith.constant 0 : index
    %swap3A_159 = vector.load %arg10[%swap3A_156, %swap3A_157, %swap3A_158] : memref<1x512x1xi32, #tpu.memory_space<vmem>>, vector<1x512x1xi32>
    %swap3A_160 = vector.shape_cast %swap3A_159 : vector<1x512x1xi32> to vector<512x1xi32>
    %swap3A_161 = vector.shape_cast %convert_element_type3A_155 : vector<512x1xi32> to vector<1x512x1xi32>
    tpu.vector_store %arg10[%swap3A_156, %swap3A_157, %swap3A_158], %swap3A_161 {strides = array<i32>} : memref<1x512x1xi32, #tpu.memory_space<vmem>>, vector<1x512x1xi32>,
    return
  }
  func.func @transform_0(%arg0: i32) -> (i32, i32, i32) {
    %c0_i32 = arith.constant 0 : i32
    %c0_i32_0 = arith.constant 0 : i32
    %c0_i32_1 = arith.constant 0 : i32
    return %arg0, %c0_i32, %c0_i32_0 : i32, i32, i32
  }
  func.func @transform_1(%arg0: i32) -> (i32, i32, i32) {
    %c0_i32 = arith.constant 0 : i32
    %c0_i32_0 = arith.constant 0 : i32
    %c0_i32_1 = arith.constant 0 : i32
    return %arg0, %c0_i32, %c0_i32_0 : i32, i32, i32
  }
  func.func @transform_2(%arg0: i32) -> (i32, i32, i32) {
    %c0_i32 = arith.constant 0 : i32
    %c0_i32_0 = arith.constant 0 : i32
    %c0_i32_1 = arith.constant 0 : i32
    return %arg0, %c0_i32, %c0_i32_0 : i32, i32, i32
  }
  func.func @transform_3(%arg0: i32) -> (i32, i32, i32) {
    %c0_i32 = arith.constant 0 : i32
    %c0_i32_0 = arith.constant 0 : i32
    %c0_i32_1 = arith.constant 0 : i32
    return %arg0, %c0_i32, %c0_i32_0 : i32, i32, i32
  }
  func.func @transform_4(%arg0: i32) -> (i32, i32) {
    %c0_i32 = arith.constant 0 : i32
    %c0_i32_0 = arith.constant 0 : i32
    %c0_i32_1 = arith.constant 0 : i32
    return %c0_i32, %c0_i32_0 : i32, i32
  }
  func.func @transform_5(%arg0: i32) -> (i32, i32) {
    %c0_i32 = arith.constant 0 : i32
    %c0_i32_0 = arith.constant 0 : i32
    %c0_i32_1 = arith.constant 0 : i32
    return %c0_i32, %c0_i32_0 : i32, i32
  }
  func.func @transform_6(%arg0: i32) -> (i32, i32, i32) {
    %c0_i32 = arith.constant 0 : i32
    %c0_i32_0 = arith.constant 0 : i32
    %c0_i32_1 = arith.constant 0 : i32
    return %arg0, %c0_i32, %c0_i32_0 : i32, i32, i32
  }
  func.func @transform_7(%arg0: i32) -> (i32, i32, i32) {
    %c0_i32 = arith.constant 0 : i32
    %c0_i32_0 = arith.constant 0 : i32
    %c0_i32_1 = arith.constant 0 : i32
    return %arg0, %c0_i32, %c0_i32_0 : i32, i32, i32
  }
  func.func @transform_8(%arg0: i32) -> (i32, i32, i32) {
    %c0_i32 = arith.constant 0 : i32
    %c0_i32_0 = arith.constant 0 : i32
    %c0_i32_1 = arith.constant 0 : i32
    return %arg0, %c0_i32, %c0_i32_0 : i32, i32, i32
  }
  func.func @transform_9(%arg0: i32) -> (i32, i32, i32) {
    %c0_i32 = arith.constant 0 : i32
    %c0_i32_0 = arith.constant 0 : i32
    %c0_i32_1 = arith.constant 0 : i32
    return %arg0, %c0_i32, %c0_i32_0 : i32, i32, i32
  }
}

module attributes {stable_mosaic.version = 14 : i64} {
  func.func @_qkv_knl(%arg0: memref<2048x256xf32, #tpu.memory_space<vmem>>, %arg1: memref<256x256xf32, #tpu.memory_space<vmem>>, %arg2: memref<1x256xf32, #tpu.memory_space<vmem>>, %arg3: memref<256x256xf32, #tpu.memory_space<vmem>>, %arg4: memref<1x256xf32, #tpu.memory_space<vmem>>, %arg5: memref<256x256xf32, #tpu.memory_space<vmem>>, %arg6: memref<1x256xf32, #tpu.memory_space<vmem>>, %arg7: memref<2048x256xf32, #tpu.memory_space<vmem>>, %arg8: memref<2048x256xf32, #tpu.memory_space<vmem>>, %arg9: memref<2048x256xf32, #tpu.memory_space<vmem>>) attributes {dimension_semantics = [], scalar_prefetch = 0 : i64, scratch_operands = 0 : i64, tpu.core_type = #tpu.core_type<tc>} {
    %get3A = arith.constant 0 : index
    %get3A_0 = arith.constant 0 : index
    %get3A_1 = vector.load %arg0[%get3A, %get3A_0] : memref<2048x256xf32, #tpu.memory_space<vmem>>, vector<2048x256xf32>
    %get3A_2 = arith.constant 0 : index
    %get3A_3 = arith.constant 0 : index
    %get3A_4 = vector.load %arg1[%get3A_2, %get3A_3] : memref<256x256xf32, #tpu.memory_space<vmem>>, vector<256x256xf32>
    %convert_element_type3A = arith.truncf %get3A_1 : vector<2048x256xf32> to vector<2048x256xbf16>
    %convert_element_type3A_5 = arith.truncf %get3A_4 : vector<256x256xf32> to vector<256x256xbf16>
    %dot_general3A = arith.constant dense<0.000000e+00> : vector<2048x256xf32>
    %dot_general3A_6 = tpu.matmul %convert_element_type3A, %convert_element_type3A_5, %dot_general3A {dimension_numbers = #tpu.dot_dimension_numbers<[1], [0], [0], [1], [0, 0, 1, 1], [], []>, transpose_lhs_hint = false} : vector<2048x256xbf16>, vector<256x256xbf16>, vector<2048x256xf32> -> vector<2048x256xf32>
    %get3A_7 = arith.constant 0 : index
    %get3A_8 = arith.constant 0 : index
    %get3A_9 = vector.load %arg2[%get3A_7, %get3A_8] : memref<1x256xf32, #tpu.memory_space<vmem>>, vector<1x256xf32>
    %add3A = vector.broadcast %get3A_9 : vector<1x256xf32> to vector<2048x256xf32>
    %add3A_10 = arith.addf %dot_general3A_6, %add3A : vector<2048x256xf32>
    %swap3A = arith.constant 0 : index
    %swap3A_11 = arith.constant 0 : index
    %swap3A_12 = vector.load %arg7[%swap3A, %swap3A_11] : memref<2048x256xf32, #tpu.memory_space<vmem>>, vector<2048x256xf32>
    tpu.vector_store %arg7[%swap3A, %swap3A_11], %add3A_10 {strides = array<i32>} : memref<2048x256xf32, #tpu.memory_space<vmem>>, vector<2048x256xf32>,
    %get3A_13 = arith.constant 0 : index
    %get3A_14 = arith.constant 0 : index
    %get3A_15 = vector.load %arg3[%get3A_13, %get3A_14] : memref<256x256xf32, #tpu.memory_space<vmem>>, vector<256x256xf32>
    %convert_element_type3A_16 = arith.truncf %get3A_1 : vector<2048x256xf32> to vector<2048x256xbf16>
    %convert_element_type3A_17 = arith.truncf %get3A_15 : vector<256x256xf32> to vector<256x256xbf16>
    %dot_general3A_18 = arith.constant dense<0.000000e+00> : vector<2048x256xf32>
    %dot_general3A_19 = tpu.matmul %convert_element_type3A_16, %convert_element_type3A_17, %dot_general3A_18 {dimension_numbers = #tpu.dot_dimension_numbers<[1], [0], [0], [1], [0, 0, 1, 1], [], []>, transpose_lhs_hint = false} : vector<2048x256xbf16>, vector<256x256xbf16>, vector<2048x256xf32> -> vector<2048x256xf32>
    %get3A_20 = arith.constant 0 : index
    %get3A_21 = arith.constant 0 : index
    %get3A_22 = vector.load %arg4[%get3A_20, %get3A_21] : memref<1x256xf32, #tpu.memory_space<vmem>>, vector<1x256xf32>
    %add3A_23 = vector.broadcast %get3A_22 : vector<1x256xf32> to vector<2048x256xf32>
    %add3A_24 = arith.addf %dot_general3A_19, %add3A_23 : vector<2048x256xf32>
    %swap3A_25 = arith.constant 0 : index
    %swap3A_26 = arith.constant 0 : index
    %swap3A_27 = vector.load %arg8[%swap3A_25, %swap3A_26] : memref<2048x256xf32, #tpu.memory_space<vmem>>, vector<2048x256xf32>
    tpu.vector_store %arg8[%swap3A_25, %swap3A_26], %add3A_24 {strides = array<i32>} : memref<2048x256xf32, #tpu.memory_space<vmem>>, vector<2048x256xf32>,
    %get3A_28 = arith.constant 0 : index
    %get3A_29 = arith.constant 0 : index
    %get3A_30 = vector.load %arg5[%get3A_28, %get3A_29] : memref<256x256xf32, #tpu.memory_space<vmem>>, vector<256x256xf32>
    %convert_element_type3A_31 = arith.truncf %get3A_1 : vector<2048x256xf32> to vector<2048x256xbf16>
    %convert_element_type3A_32 = arith.truncf %get3A_30 : vector<256x256xf32> to vector<256x256xbf16>
    %dot_general3A_33 = arith.constant dense<0.000000e+00> : vector<2048x256xf32>
    %dot_general3A_34 = tpu.matmul %convert_element_type3A_31, %convert_element_type3A_32, %dot_general3A_33 {dimension_numbers = #tpu.dot_dimension_numbers<[1], [0], [0], [1], [0, 0, 1, 1], [], []>, transpose_lhs_hint = false} : vector<2048x256xbf16>, vector<256x256xbf16>, vector<2048x256xf32> -> vector<2048x256xf32>
    %get3A_35 = arith.constant 0 : index
    %get3A_36 = arith.constant 0 : index
    %get3A_37 = vector.load %arg6[%get3A_35, %get3A_36] : memref<1x256xf32, #tpu.memory_space<vmem>>, vector<1x256xf32>
    %add3A_38 = vector.broadcast %get3A_37 : vector<1x256xf32> to vector<2048x256xf32>
    %add3A_39 = arith.addf %dot_general3A_34, %add3A_38 : vector<2048x256xf32>
    %swap3A_40 = arith.constant 0 : index
    %swap3A_41 = arith.constant 0 : index
    %swap3A_42 = vector.load %arg9[%swap3A_40, %swap3A_41] : memref<2048x256xf32, #tpu.memory_space<vmem>>, vector<2048x256xf32>
    tpu.vector_store %arg9[%swap3A_40, %swap3A_41], %add3A_39 {strides = array<i32>} : memref<2048x256xf32, #tpu.memory_space<vmem>>, vector<2048x256xf32>,
    return
  }
}

module attributes {stable_mosaic.version = 14 : i64} {
  func.func @_gat_knl(%arg0: i32, %arg1: i32, %arg2: memref<1x2048x1xi32, #tpu.memory_space<vmem>>, %arg3: memref<1x512x512xbf16, #tpu.memory_space<vmem>>, %arg4: memref<1x512x512xbf16, #tpu.memory_space<vmem>>, %arg5: memref<1x512x512xbf16, #tpu.memory_space<vmem>>, %arg6: memref<1x2048x256xf32, #tpu.memory_space<vmem>>, %arg7: memref<1x2048x256xf32, #tpu.memory_space<vmem>>) attributes {dimension_semantics = [#tpu.dimension_semantics<arbitrary>, #tpu.dimension_semantics<arbitrary>], iteration_bounds = array<i64: 4, 8>, scalar_prefetch = 0 : i64, scratch_operands = 0 : i64, tpu.core_type = #tpu.core_type<tc>, window_params = [{transform_indices = @transform_0, window_bounds = array<i64: 1, 2048, 1>}, {transform_indices = @transform_1, window_bounds = array<i64: 1, 512, 512>}, {transform_indices = @transform_2, window_bounds = array<i64: 1, 512, 512>}, {transform_indices = @transform_3, window_bounds = array<i64: 1, 512, 512>}, {transform_indices = @transform_4, window_bounds = array<i64: 1, 2048, 256>}, {transform_indices = @transform_5, window_bounds = array<i64: 1, 2048, 256>}]} {
    %get3A = arith.constant 0 : index
    %get3A_0 = arith.constant 0 : index
    %get3A_1 = arith.constant 0 : index
    %get3A_2 = vector.load %arg2[%get3A, %get3A_0, %get3A_1] : memref<1x2048x1xi32, #tpu.memory_space<vmem>>, vector<1x2048x1xi32>
    %get3A_3 = vector.shape_cast %get3A_2 : vector<1x2048x1xi32> to vector<2048x1xi32>
    %iota3A = tpu.iota {dimensions = array<i32: 1>} : vector<2048x512xi32>
    %eq3A = vector.broadcast %get3A_3 : vector<2048x1xi32> to vector<2048x512xi32>
    %eq3A_4 = arith.cmpi eq, %eq3A, %iota3A : vector<2048x512xi32>
    %convert_element_type3A = arith.extui %eq3A_4 : vector<2048x512xi1> to vector<2048x512xi32>
    %convert_element_type3A_5 = arith.sitofp %convert_element_type3A : vector<2048x512xi32> to vector<2048x512xf32>
    %convert_element_type3A_6 = arith.truncf %convert_element_type3A_5 : vector<2048x512xf32> to vector<2048x512xbf16>
    %get3A_7 = arith.constant 0 : index
    %get3A_8 = arith.constant 0 : index
    %get3A_9 = arith.constant 0 : index
    %get3A_10 = vector.load %arg3[%get3A_7, %get3A_8, %get3A_9] : memref<1x512x512xbf16, #tpu.memory_space<vmem>>, vector<1x512x512xbf16>
    %get3A_11 = vector.shape_cast %get3A_10 : vector<1x512x512xbf16> to vector<512x512xbf16>
    %dot_general3A = arith.constant dense<0.000000e+00> : vector<2048x512xf32>
    %dot_general3A_12 = tpu.matmul %convert_element_type3A_6, %get3A_11, %dot_general3A {dimension_numbers = #tpu.dot_dimension_numbers<[1], [0], [0], [1], [0, 0, 1, 1], [], []>, transpose_lhs_hint = false} : vector<2048x512xbf16>, vector<512x512xbf16>, vector<2048x512xf32> -> vector<2048x512xf32>
    %get3A_13 = arith.constant 0 : index
    %get3A_14 = arith.constant 0 : index
    %get3A_15 = arith.constant 0 : index
    %get3A_16 = vector.load %arg4[%get3A_13, %get3A_14, %get3A_15] : memref<1x512x512xbf16, #tpu.memory_space<vmem>>, vector<1x512x512xbf16>
    %get3A_17 = vector.shape_cast %get3A_16 : vector<1x512x512xbf16> to vector<512x512xbf16>
    %dot_general3A_18 = arith.constant dense<0.000000e+00> : vector<2048x512xf32>
    %dot_general3A_19 = tpu.matmul %convert_element_type3A_6, %get3A_17, %dot_general3A_18 {dimension_numbers = #tpu.dot_dimension_numbers<[1], [0], [0], [1], [0, 0, 1, 1], [], []>, transpose_lhs_hint = false} : vector<2048x512xbf16>, vector<512x512xbf16>, vector<2048x512xf32> -> vector<2048x512xf32>
    %get3A_20 = arith.constant 0 : index
    %get3A_21 = arith.constant 0 : index
    %get3A_22 = arith.constant 0 : index
    %get3A_23 = vector.load %arg5[%get3A_20, %get3A_21, %get3A_22] : memref<1x512x512xbf16, #tpu.memory_space<vmem>>, vector<1x512x512xbf16>
    %get3A_24 = vector.shape_cast %get3A_23 : vector<1x512x512xbf16> to vector<512x512xbf16>
    %dot_general3A_25 = arith.constant dense<0.000000e+00> : vector<2048x512xf32>
    %dot_general3A_26 = tpu.matmul %convert_element_type3A_6, %get3A_24, %dot_general3A_25 {dimension_numbers = #tpu.dot_dimension_numbers<[1], [0], [0], [1], [0, 0, 1, 1], [], []>, transpose_lhs_hint = false} : vector<2048x512xbf16>, vector<512x512xbf16>, vector<2048x512xf32> -> vector<2048x512xf32>
    %add3A = arith.addf %dot_general3A_12, %dot_general3A_19 : vector<2048x512xf32>
    %add3A_27 = arith.addf %add3A, %dot_general3A_26 : vector<2048x512xf32>
    %slice3A = vector.extract_strided_slice %add3A_27 {offsets = [0, 0], sizes = [2048, 256], strides = [1, 1]} : vector<2048x512xf32> to vector<2048x256xf32>
    %swap3A = arith.constant 0 : index
    %swap3A_28 = arith.constant 0 : index
    %swap3A_29 = arith.constant 0 : index
    %swap3A_30 = vector.load %arg6[%swap3A, %swap3A_28, %swap3A_29] : memref<1x2048x256xf32, #tpu.memory_space<vmem>>, vector<1x2048x256xf32>
    %swap3A_31 = vector.shape_cast %swap3A_30 : vector<1x2048x256xf32> to vector<2048x256xf32>
    %swap3A_32 = vector.shape_cast %slice3A : vector<2048x256xf32> to vector<1x2048x256xf32>
    tpu.vector_store %arg6[%swap3A, %swap3A_28, %swap3A_29], %swap3A_32 {strides = array<i32>} : memref<1x2048x256xf32, #tpu.memory_space<vmem>>, vector<1x2048x256xf32>,
    %slice3A_33 = vector.extract_strided_slice %add3A_27 {offsets = [0, 256], sizes = [2048, 256], strides = [1, 1]} : vector<2048x512xf32> to vector<2048x256xf32>
    %swap3A_34 = arith.constant 0 : index
    %swap3A_35 = arith.constant 0 : index
    %swap3A_36 = arith.constant 0 : index
    %swap3A_37 = vector.load %arg7[%swap3A_34, %swap3A_35, %swap3A_36] : memref<1x2048x256xf32, #tpu.memory_space<vmem>>, vector<1x2048x256xf32>
    %swap3A_38 = vector.shape_cast %swap3A_37 : vector<1x2048x256xf32> to vector<2048x256xf32>
    %swap3A_39 = vector.shape_cast %slice3A_33 : vector<2048x256xf32> to vector<1x2048x256xf32>
    tpu.vector_store %arg7[%swap3A_34, %swap3A_35, %swap3A_36], %swap3A_39 {strides = array<i32>} : memref<1x2048x256xf32, #tpu.memory_space<vmem>>, vector<1x2048x256xf32>,
    return
  }
  func.func @transform_0(%arg0: i32, %arg1: i32) -> (i32, i32, i32) {
    %mul3A = arith.constant 8 : i32
    %mul3A_0 = arith.muli %arg0, %mul3A : i32
    %add3A = arith.addi %mul3A_0, %arg1 : i32
    %c0_i32 = arith.constant 0 : i32
    %c0_i32_1 = arith.constant 0 : i32
    %c0_i32_2 = arith.constant 0 : i32
    return %add3A, %c0_i32, %c0_i32_1 : i32, i32, i32
  }
  func.func @transform_1(%arg0: i32, %arg1: i32) -> (i32, i32, i32) {
    %c0_i32 = arith.constant 0 : i32
    %c0_i32_0 = arith.constant 0 : i32
    %c0_i32_1 = arith.constant 0 : i32
    return %arg0, %c0_i32, %c0_i32_0 : i32, i32, i32
  }
  func.func @transform_2(%arg0: i32, %arg1: i32) -> (i32, i32, i32) {
    %c0_i32 = arith.constant 0 : i32
    %c0_i32_0 = arith.constant 0 : i32
    %c0_i32_1 = arith.constant 0 : i32
    return %arg0, %c0_i32, %c0_i32_0 : i32, i32, i32
  }
  func.func @transform_3(%arg0: i32, %arg1: i32) -> (i32, i32, i32) {
    %c0_i32 = arith.constant 0 : i32
    %c0_i32_0 = arith.constant 0 : i32
    %c0_i32_1 = arith.constant 0 : i32
    return %arg0, %c0_i32, %c0_i32_0 : i32, i32, i32
  }
  func.func @transform_4(%arg0: i32, %arg1: i32) -> (i32, i32, i32) {
    %c0_i32 = arith.constant 0 : i32
    %c0_i32_0 = arith.constant 0 : i32
    return %arg0, %arg1, %c0_i32 : i32, i32, i32
  }
  func.func @transform_5(%arg0: i32, %arg1: i32) -> (i32, i32, i32) {
    %c0_i32 = arith.constant 0 : i32
    %c0_i32_0 = arith.constant 0 : i32
    return %arg0, %arg1, %c0_i32 : i32, i32, i32
  }
}

module attributes {stable_mosaic.version = 14 : i64} {
  func.func @_res_knl(%arg0: memref<2048x256xf32, #tpu.memory_space<vmem>>, %arg1: memref<2048x256xf32, #tpu.memory_space<vmem>>, %arg2: memref<256x256xf32, #tpu.memory_space<vmem>>, %arg3: memref<1x256xf32, #tpu.memory_space<vmem>>, %arg4: memref<2048x256xf32, #tpu.memory_space<vmem>>) attributes {dimension_semantics = [], scalar_prefetch = 0 : i64, scratch_operands = 0 : i64, tpu.core_type = #tpu.core_type<tc>} {
    %get3A = arith.constant 0 : index
    %get3A_0 = arith.constant 0 : index
    %get3A_1 = vector.load %arg0[%get3A, %get3A_0] : memref<2048x256xf32, #tpu.memory_space<vmem>>, vector<2048x256xf32>
    %get3A_2 = arith.constant 0 : index
    %get3A_3 = arith.constant 0 : index
    %get3A_4 = vector.load %arg1[%get3A_2, %get3A_3] : memref<2048x256xf32, #tpu.memory_space<vmem>>, vector<2048x256xf32>
    %get3A_5 = arith.constant 0 : index
    %get3A_6 = arith.constant 0 : index
    %get3A_7 = vector.load %arg2[%get3A_5, %get3A_6] : memref<256x256xf32, #tpu.memory_space<vmem>>, vector<256x256xf32>
    %convert_element_type3A = arith.truncf %get3A_4 : vector<2048x256xf32> to vector<2048x256xbf16>
    %convert_element_type3A_8 = arith.truncf %get3A_7 : vector<256x256xf32> to vector<256x256xbf16>
    %dot_general3A = arith.constant dense<0.000000e+00> : vector<2048x256xf32>
    %dot_general3A_9 = tpu.matmul %convert_element_type3A, %convert_element_type3A_8, %dot_general3A {dimension_numbers = #tpu.dot_dimension_numbers<[1], [0], [0], [1], [0, 0, 1, 1], [], []>, transpose_lhs_hint = false} : vector<2048x256xbf16>, vector<256x256xbf16>, vector<2048x256xf32> -> vector<2048x256xf32>
    %add3A = arith.addf %get3A_1, %dot_general3A_9 : vector<2048x256xf32>
    %get3A_10 = arith.constant 0 : index
    %get3A_11 = arith.constant 0 : index
    %get3A_12 = vector.load %arg3[%get3A_10, %get3A_11] : memref<1x256xf32, #tpu.memory_space<vmem>>, vector<1x256xf32>
    %add3A_13 = vector.broadcast %get3A_12 : vector<1x256xf32> to vector<2048x256xf32>
    %add3A_14 = arith.addf %add3A, %add3A_13 : vector<2048x256xf32>
    %swap3A = arith.constant 0 : index
    %swap3A_15 = arith.constant 0 : index
    %swap3A_16 = vector.load %arg4[%swap3A, %swap3A_15] : memref<2048x256xf32, #tpu.memory_space<vmem>>, vector<2048x256xf32>
    tpu.vector_store %arg4[%swap3A, %swap3A_15], %add3A_14 {strides = array<i32>} : memref<2048x256xf32, #tpu.memory_space<vmem>>, vector<2048x256xf32>,
    return
  }
}

module attributes {stable_mosaic.version = 14 : i64} {
  func.func @_ff_knl(%arg0: memref<2048x256xf32, #tpu.memory_space<vmem>>, %arg1: memref<256x1024xf32, #tpu.memory_space<vmem>>, %arg2: memref<1x1024xf32, #tpu.memory_space<vmem>>, %arg3: memref<1024x256xf32, #tpu.memory_space<vmem>>, %arg4: memref<1x256xf32, #tpu.memory_space<vmem>>, %arg5: memref<256x64xf32, #tpu.memory_space<vmem>>, %arg6: memref<1x64xf32, #tpu.memory_space<vmem>>, %arg7: memref<2048x256xf32, #tpu.memory_space<vmem>>, %arg8: memref<2048x64xf32, #tpu.memory_space<vmem>>) attributes {dimension_semantics = [], scalar_prefetch = 0 : i64, scratch_operands = 0 : i64, tpu.core_type = #tpu.core_type<tc>} {
    %get3A = arith.constant 0 : index
    %get3A_0 = arith.constant 0 : index
    %get3A_1 = vector.load %arg0[%get3A, %get3A_0] : memref<2048x256xf32, #tpu.memory_space<vmem>>, vector<2048x256xf32>
    %get3A_2 = arith.constant 0 : index
    %get3A_3 = arith.constant 0 : index
    %get3A_4 = vector.load %arg1[%get3A_2, %get3A_3] : memref<256x1024xf32, #tpu.memory_space<vmem>>, vector<256x1024xf32>
    %convert_element_type3A = arith.truncf %get3A_1 : vector<2048x256xf32> to vector<2048x256xbf16>
    %convert_element_type3A_5 = arith.truncf %get3A_4 : vector<256x1024xf32> to vector<256x1024xbf16>
    %dot_general3A = arith.constant dense<0.000000e+00> : vector<2048x1024xf32>
    %dot_general3A_6 = tpu.matmul %convert_element_type3A, %convert_element_type3A_5, %dot_general3A {dimension_numbers = #tpu.dot_dimension_numbers<[1], [0], [0], [1], [0, 0, 1, 1], [], []>, transpose_lhs_hint = false} : vector<2048x256xbf16>, vector<256x1024xbf16>, vector<2048x1024xf32> -> vector<2048x1024xf32>
    %get3A_7 = arith.constant 0 : index
    %get3A_8 = arith.constant 0 : index
    %get3A_9 = vector.load %arg2[%get3A_7, %get3A_8] : memref<1x1024xf32, #tpu.memory_space<vmem>>, vector<1x1024xf32>
    %add3A = vector.broadcast %get3A_9 : vector<1x1024xf32> to vector<2048x1024xf32>
    %add3A_10 = arith.addf %dot_general3A_6, %add3A : vector<2048x1024xf32>
    %max3A = arith.constant 0.000000e+00 : f32
    %max3A_11 = vector.broadcast %max3A : f32 to vector<2048x1024xf32>
    %max3A_12 = arith.maximumf %add3A_10, %max3A_11 : vector<2048x1024xf32>
    %get3A_13 = arith.constant 0 : index
    %get3A_14 = arith.constant 0 : index
    %get3A_15 = vector.load %arg3[%get3A_13, %get3A_14] : memref<1024x256xf32, #tpu.memory_space<vmem>>, vector<1024x256xf32>
    %convert_element_type3A_16 = arith.truncf %max3A_12 : vector<2048x1024xf32> to vector<2048x1024xbf16>
    %convert_element_type3A_17 = arith.truncf %get3A_15 : vector<1024x256xf32> to vector<1024x256xbf16>
    %dot_general3A_18 = arith.constant dense<0.000000e+00> : vector<2048x256xf32>
    %dot_general3A_19 = tpu.matmul %convert_element_type3A_16, %convert_element_type3A_17, %dot_general3A_18 {dimension_numbers = #tpu.dot_dimension_numbers<[1], [0], [0], [1], [0, 0, 1, 1], [], []>, transpose_lhs_hint = false} : vector<2048x1024xbf16>, vector<1024x256xbf16>, vector<2048x256xf32> -> vector<2048x256xf32>
    %add3A_20 = arith.addf %get3A_1, %dot_general3A_19 : vector<2048x256xf32>
    %get3A_21 = arith.constant 0 : index
    %get3A_22 = arith.constant 0 : index
    %get3A_23 = vector.load %arg4[%get3A_21, %get3A_22] : memref<1x256xf32, #tpu.memory_space<vmem>>, vector<1x256xf32>
    %add3A_24 = vector.broadcast %get3A_23 : vector<1x256xf32> to vector<2048x256xf32>
    %add3A_25 = arith.addf %add3A_20, %add3A_24 : vector<2048x256xf32>
    %swap3A = arith.constant 0 : index
    %swap3A_26 = arith.constant 0 : index
    %swap3A_27 = vector.load %arg7[%swap3A, %swap3A_26] : memref<2048x256xf32, #tpu.memory_space<vmem>>, vector<2048x256xf32>
    tpu.vector_store %arg7[%swap3A, %swap3A_26], %add3A_25 {strides = array<i32>} : memref<2048x256xf32, #tpu.memory_space<vmem>>, vector<2048x256xf32>,
    %get3A_28 = arith.constant 0 : index
    %get3A_29 = arith.constant 0 : index
    %get3A_30 = vector.load %arg5[%get3A_28, %get3A_29] : memref<256x64xf32, #tpu.memory_space<vmem>>, vector<256x64xf32>
    %convert_element_type3A_31 = arith.truncf %add3A_25 : vector<2048x256xf32> to vector<2048x256xbf16>
    %convert_element_type3A_32 = arith.truncf %get3A_30 : vector<256x64xf32> to vector<256x64xbf16>
    %dot_general3A_33 = arith.constant dense<0.000000e+00> : vector<2048x64xf32>
    %dot_general3A_34 = tpu.matmul %convert_element_type3A_31, %convert_element_type3A_32, %dot_general3A_33 {dimension_numbers = #tpu.dot_dimension_numbers<[1], [0], [0], [1], [0, 0, 1, 1], [], []>, transpose_lhs_hint = false} : vector<2048x256xbf16>, vector<256x64xbf16>, vector<2048x64xf32> -> vector<2048x64xf32>
    %get3A_35 = arith.constant 0 : index
    %get3A_36 = arith.constant 0 : index
    %get3A_37 = vector.load %arg6[%get3A_35, %get3A_36] : memref<1x64xf32, #tpu.memory_space<vmem>>, vector<1x64xf32>
    %add3A_38 = vector.broadcast %get3A_37 : vector<1x64xf32> to vector<2048x64xf32>
    %add3A_39 = arith.addf %dot_general3A_34, %add3A_38 : vector<2048x64xf32>
    %tanh3A = math.tanh %add3A_39 : vector<2048x64xf32>
    %swap3A_40 = arith.constant 0 : index
    %swap3A_41 = arith.constant 0 : index
    %swap3A_42 = vector.load %arg8[%swap3A_40, %swap3A_41] : memref<2048x64xf32, #tpu.memory_space<vmem>>, vector<2048x64xf32>
    tpu.vector_store %arg8[%swap3A_40, %swap3A_41], %tanh3A {strides = array<i32>} : memref<2048x64xf32, #tpu.memory_space<vmem>>, vector<2048x64xf32>,
    return
  }
}

module attributes {stable_mosaic.version = 14 : i64} {
  func.func @_pool_knl(%arg0: i32, %arg1: memref<1x512x256xf32, #tpu.memory_space<vmem>>, %arg2: memref<1x512x1xf32, #tpu.memory_space<vmem>>, %arg3: memref<1x1x512xf32, #tpu.memory_space<vmem>>, %arg4: memref<1x512x8xf32, #tpu.memory_space<vmem>>, %arg5: memref<256x64xf32, #tpu.memory_space<vmem>>, %arg6: memref<1x64xf32, #tpu.memory_space<vmem>>, %arg7: memref<1x128x64xf32, #tpu.memory_space<vmem>>, %arg8: memref<1x128x8xf32, #tpu.memory_space<vmem>>, %arg9: memref<1x128x1xf32, #tpu.memory_space<vmem>>, %arg10: memref<1x128x1xi32, #tpu.memory_space<vmem>>) attributes {dimension_semantics = [#tpu.dimension_semantics<arbitrary>], iteration_bounds = array<i64: 4>, scalar_prefetch = 0 : i64, scratch_operands = 0 : i64, tpu.core_type = #tpu.core_type<tc>, window_params = [{transform_indices = @transform_0, window_bounds = array<i64: 1, 512, 256>}, {transform_indices = @transform_1, window_bounds = array<i64: 1, 512, 1>}, {transform_indices = @transform_2, window_bounds = array<i64: 1, 1, 512>}, {transform_indices = @transform_3, window_bounds = array<i64: 1, 512, 8>}, {pipeline_mode = #tpu.pipeline_mode<synchronous>, transform_indices = @transform_4, window_bounds = array<i64: 256, 64>}, {pipeline_mode = #tpu.pipeline_mode<synchronous>, transform_indices = @transform_5, window_bounds = array<i64: 1, 64>}, {transform_indices = @transform_6, window_bounds = array<i64: 1, 128, 64>}, {transform_indices = @transform_7, window_bounds = array<i64: 1, 128, 8>}, {transform_indices = @transform_8, window_bounds = array<i64: 1, 128, 1>}, {transform_indices = @transform_9, window_bounds = array<i64: 1, 128, 1>}]} {
    %get3A = arith.constant 0 : index
    %get3A_0 = arith.constant 0 : index
    %get3A_1 = arith.constant 0 : index
    %get3A_2 = vector.load %arg2[%get3A, %get3A_0, %get3A_1] : memref<1x512x1xf32, #tpu.memory_space<vmem>>, vector<1x512x1xf32>
    %get3A_3 = vector.shape_cast %get3A_2 : vector<1x512x1xf32> to vector<512x1xf32>
    %get3A_4 = arith.constant 0 : index
    %get3A_5 = arith.constant 0 : index
    %get3A_6 = arith.constant 0 : index
    %get3A_7 = vector.load %arg3[%get3A_4, %get3A_5, %get3A_6] : memref<1x1x512xf32, #tpu.memory_space<vmem>>, vector<1x1x512xf32>
    %get3A_8 = vector.shape_cast %get3A_7 : vector<1x1x512xf32> to vector<1x512xf32>
    %gt3A = vector.broadcast %get3A_3 : vector<512x1xf32> to vector<512x512xf32>
    %gt3A_9 = vector.broadcast %get3A_8 : vector<1x512xf32> to vector<512x512xf32>
    %gt3A_10 = arith.cmpf ogt, %gt3A, %gt3A_9 : vector<512x512xf32>
    %convert_element_type3A = arith.extui %gt3A_10 : vector<512x512xi1> to vector<512x512xi32>
    %convert_element_type3A_11 = arith.sitofp %convert_element_type3A : vector<512x512xi32> to vector<512x512xf32>
    %eq3A = vector.broadcast %get3A_3 : vector<512x1xf32> to vector<512x512xf32>
    %eq3A_12 = vector.broadcast %get3A_8 : vector<1x512xf32> to vector<512x512xf32>
    %eq3A_13 = arith.cmpf oeq, %eq3A, %eq3A_12 : vector<512x512xf32>
    %iota3A = tpu.iota {dimensions = array<i32: 0>} : vector<512x512xi32>
    %iota3A_14 = tpu.iota {dimensions = array<i32: 1>} : vector<512x512xi32>
    %add3A = arith.constant 0 : i32
    %add3A_15 = vector.broadcast %add3A : i32 to vector<512x512xi32>
    %add3A_16 = arith.addi %iota3A_14, %add3A_15 : vector<512x512xi32>
    %lt3A = arith.cmpi slt, %iota3A, %add3A_16 : vector<512x512xi32>
    %convert_element_type3A_17 = arith.extui %lt3A : vector<512x512xi1> to vector<512x512xi32>
    %convert_element_type3A_18 = arith.sitofp %convert_element_type3A_17 : vector<512x512xi32> to vector<512x512xf32>
    %jit3A = arith.constant 0.000000e+00 : f32
    %broadcast_in_dim3A = vector.broadcast %jit3A : f32 to vector<512x512xf32>
    %select_n3A = arith.select %eq3A_13, %convert_element_type3A_18, %broadcast_in_dim3A : vector<512x512xi1>, vector<512x512xf32>
    %add3A_19 = arith.addf %convert_element_type3A_11, %select_n3A : vector<512x512xf32>
    %reduce_sum3A = arith.constant dense<0.000000e+00> : vector<512xf32>
    %reduce_sum3A_20 = vector.multi_reduction <add>, %add3A_19, %reduce_sum3A [0] : vector<512x512xf32> to vector<512xf32>
    %broadcast_in_dim3A_21 = vector.shape_cast %reduce_sum3A_20 : vector<512xf32> to vector<1x512xf32>
    %iota3A_22 = tpu.iota {dimensions = array<i32: 0>} : vector<128x1xi32>
    %convert_element_type3A_23 = arith.sitofp %iota3A_22 : vector<128x1xi32> to vector<128x1xf32>
    %eq3A_24 = vector.broadcast %broadcast_in_dim3A_21 : vector<1x512xf32> to vector<128x512xf32>
    %eq3A_25 = vector.broadcast %convert_element_type3A_23 : vector<128x1xf32> to vector<128x512xf32>
    %eq3A_26 = arith.cmpf oeq, %eq3A_24, %eq3A_25 : vector<128x512xf32>
    %convert_element_type3A_27 = arith.extui %eq3A_26 : vector<128x512xi1> to vector<128x512xi32>
    %convert_element_type3A_28 = arith.sitofp %convert_element_type3A_27 : vector<128x512xi32> to vector<128x512xf32>
    %get3A_29 = arith.constant 0 : index
    %get3A_30 = arith.constant 0 : index
    %get3A_31 = arith.constant 0 : index
    %get3A_32 = vector.load %arg1[%get3A_29, %get3A_30, %get3A_31] : memref<1x512x256xf32, #tpu.memory_space<vmem>>, vector<1x512x256xf32>
    %get3A_33 = vector.shape_cast %get3A_32 : vector<1x512x256xf32> to vector<512x256xf32>
    %dot_general3A = arith.constant dense<0.000000e+00> : vector<128x256xf32>
    %dot_general3A_34 = tpu.matmul %convert_element_type3A_28, %get3A_33, %dot_general3A {dimension_numbers = #tpu.dot_dimension_numbers<[1], [0], [0], [1], [0, 0, 1, 1], [], []>, precision = #tpu.contract_precision<fp32>, transpose_lhs_hint = false} : vector<128x512xf32>, vector<512x256xf32>, vector<128x256xf32> -> vector<128x256xf32>
    %get3A_35 = arith.constant 0 : index
    %get3A_36 = arith.constant 0 : index
    %get3A_37 = arith.constant 0 : index
    %get3A_38 = vector.load %arg4[%get3A_35, %get3A_36, %get3A_37] : memref<1x512x8xf32, #tpu.memory_space<vmem>>, vector<1x512x8xf32>
    %get3A_39 = vector.shape_cast %get3A_38 : vector<1x512x8xf32> to vector<512x8xf32>
    %dot_general3A_40 = arith.constant dense<0.000000e+00> : vector<128x8xf32>
    %dot_general3A_41 = tpu.matmul %convert_element_type3A_28, %get3A_39, %dot_general3A_40 {dimension_numbers = #tpu.dot_dimension_numbers<[1], [0], [0], [1], [0, 0, 1, 1], [], []>, precision = #tpu.contract_precision<fp32>, transpose_lhs_hint = false} : vector<128x512xf32>, vector<512x8xf32>, vector<128x8xf32> -> vector<128x8xf32>
    %dot_general3A_42 = arith.constant dense<0.000000e+00> : vector<128x1xf32>
    %dot_general3A_43 = tpu.matmul %convert_element_type3A_28, %get3A_3, %dot_general3A_42 {dimension_numbers = #tpu.dot_dimension_numbers<[1], [0], [0], [1], [0, 0, 1, 1], [], []>, precision = #tpu.contract_precision<fp32>, transpose_lhs_hint = false} : vector<128x512xf32>, vector<512x1xf32>, vector<128x1xf32> -> vector<128x1xf32>
    %iota3A_44 = tpu.iota {dimensions = array<i32: 0>} : vector<512x1xi32>
    %convert_element_type3A_45 = arith.sitofp %iota3A_44 : vector<512x1xi32> to vector<512x1xf32>
    %dot_general3A_46 = arith.constant dense<0.000000e+00> : vector<128x1xf32>
    %dot_general3A_47 = tpu.matmul %convert_element_type3A_28, %convert_element_type3A_45, %dot_general3A_46 {dimension_numbers = #tpu.dot_dimension_numbers<[1], [0], [0], [1], [0, 0, 1, 1], [], []>, precision = #tpu.contract_precision<fp32>, transpose_lhs_hint = false} : vector<128x512xf32>, vector<512x1xf32>, vector<128x1xf32> -> vector<128x1xf32>
    %logistic3A = arith.negf %dot_general3A_43 : vector<128x1xf32>
    %logistic3A_48 = math.exp %logistic3A : vector<128x1xf32>
    %logistic3A_49 = arith.constant 1.000000e+00 : f32
    %logistic3A_50 = vector.broadcast %logistic3A_49 : f32 to vector<128x1xf32>
    %logistic3A_51 = arith.addf %logistic3A_50, %logistic3A_48 : vector<128x1xf32>
    %logistic3A_52 = arith.divf %logistic3A_50, %logistic3A_51 : vector<128x1xf32>
    %mul3A = vector.broadcast %logistic3A_52 : vector<128x1xf32> to vector<128x256xf32>
    %mul3A_53 = arith.mulf %dot_general3A_34, %mul3A : vector<128x256xf32>
    %get3A_54 = arith.constant 0 : index
    %get3A_55 = arith.constant 0 : index
    %get3A_56 = vector.load %arg5[%get3A_54, %get3A_55] : memref<256x64xf32, #tpu.memory_space<vmem>>, vector<256x64xf32>
    %convert_element_type3A_57 = arith.truncf %mul3A_53 : vector<128x256xf32> to vector<128x256xbf16>
    %convert_element_type3A_58 = arith.truncf %get3A_56 : vector<256x64xf32> to vector<256x64xbf16>
    %dot_general3A_59 = arith.constant dense<0.000000e+00> : vector<128x64xf32>
    %dot_general3A_60 = tpu.matmul %convert_element_type3A_57, %convert_element_type3A_58, %dot_general3A_59 {dimension_numbers = #tpu.dot_dimension_numbers<[1], [0], [0], [1], [0, 0, 1, 1], [], []>, transpose_lhs_hint = false} : vector<128x256xbf16>, vector<256x64xbf16>, vector<128x64xf32> -> vector<128x64xf32>
    %get3A_61 = arith.constant 0 : index
    %get3A_62 = arith.constant 0 : index
    %get3A_63 = vector.load %arg6[%get3A_61, %get3A_62] : memref<1x64xf32, #tpu.memory_space<vmem>>, vector<1x64xf32>
    %add3A_64 = vector.broadcast %get3A_63 : vector<1x64xf32> to vector<128x64xf32>
    %add3A_65 = arith.addf %dot_general3A_60, %add3A_64 : vector<128x64xf32>
    %swap3A = arith.constant 0 : index
    %swap3A_66 = arith.constant 0 : index
    %swap3A_67 = arith.constant 0 : index
    %swap3A_68 = vector.load %arg7[%swap3A, %swap3A_66, %swap3A_67] : memref<1x128x64xf32, #tpu.memory_space<vmem>>, vector<1x128x64xf32>
    %swap3A_69 = vector.shape_cast %swap3A_68 : vector<1x128x64xf32> to vector<128x64xf32>
    %swap3A_70 = vector.shape_cast %add3A_65 : vector<128x64xf32> to vector<1x128x64xf32>
    tpu.vector_store %arg7[%swap3A, %swap3A_66, %swap3A_67], %swap3A_70 {strides = array<i32>} : memref<1x128x64xf32, #tpu.memory_space<vmem>>, vector<1x128x64xf32>,
    %swap3A_71 = arith.constant 0 : index
    %swap3A_72 = arith.constant 0 : index
    %swap3A_73 = arith.constant 0 : index
    %swap3A_74 = vector.load %arg8[%swap3A_71, %swap3A_72, %swap3A_73] : memref<1x128x8xf32, #tpu.memory_space<vmem>>, vector<1x128x8xf32>
    %swap3A_75 = vector.shape_cast %swap3A_74 : vector<1x128x8xf32> to vector<128x8xf32>
    %swap3A_76 = vector.shape_cast %dot_general3A_41 : vector<128x8xf32> to vector<1x128x8xf32>
    tpu.vector_store %arg8[%swap3A_71, %swap3A_72, %swap3A_73], %swap3A_76 {strides = array<i32>} : memref<1x128x8xf32, #tpu.memory_space<vmem>>, vector<1x128x8xf32>,
    %swap3A_77 = arith.constant 0 : index
    %swap3A_78 = arith.constant 0 : index
    %swap3A_79 = arith.constant 0 : index
    %swap3A_80 = vector.load %arg9[%swap3A_77, %swap3A_78, %swap3A_79] : memref<1x128x1xf32, #tpu.memory_space<vmem>>, vector<1x128x1xf32>
    %swap3A_81 = vector.shape_cast %swap3A_80 : vector<1x128x1xf32> to vector<128x1xf32>
    %swap3A_82 = vector.shape_cast %dot_general3A_43 : vector<128x1xf32> to vector<1x128x1xf32>
    tpu.vector_store %arg9[%swap3A_77, %swap3A_78, %swap3A_79], %swap3A_82 {strides = array<i32>} : memref<1x128x1xf32, #tpu.memory_space<vmem>>, vector<1x128x1xf32>,
    %round3A = math.roundeven %dot_general3A_47 : vector<128x1xf32>
    %convert_element_type3A_83 = arith.fptosi %round3A : vector<128x1xf32> to vector<128x1xi32>
    %swap3A_84 = arith.constant 0 : index
    %swap3A_85 = arith.constant 0 : index
    %swap3A_86 = arith.constant 0 : index
    %swap3A_87 = vector.load %arg10[%swap3A_84, %swap3A_85, %swap3A_86] : memref<1x128x1xi32, #tpu.memory_space<vmem>>, vector<1x128x1xi32>
    %swap3A_88 = vector.shape_cast %swap3A_87 : vector<1x128x1xi32> to vector<128x1xi32>
    %swap3A_89 = vector.shape_cast %convert_element_type3A_83 : vector<128x1xi32> to vector<1x128x1xi32>
    tpu.vector_store %arg10[%swap3A_84, %swap3A_85, %swap3A_86], %swap3A_89 {strides = array<i32>} : memref<1x128x1xi32, #tpu.memory_space<vmem>>, vector<1x128x1xi32>,
    return
  }
  func.func @transform_0(%arg0: i32) -> (i32, i32, i32) {
    %c0_i32 = arith.constant 0 : i32
    %c0_i32_0 = arith.constant 0 : i32
    %c0_i32_1 = arith.constant 0 : i32
    return %arg0, %c0_i32, %c0_i32_0 : i32, i32, i32
  }
  func.func @transform_1(%arg0: i32) -> (i32, i32, i32) {
    %c0_i32 = arith.constant 0 : i32
    %c0_i32_0 = arith.constant 0 : i32
    %c0_i32_1 = arith.constant 0 : i32
    return %arg0, %c0_i32, %c0_i32_0 : i32, i32, i32
  }
  func.func @transform_2(%arg0: i32) -> (i32, i32, i32) {
    %c0_i32 = arith.constant 0 : i32
    %c0_i32_0 = arith.constant 0 : i32
    %c0_i32_1 = arith.constant 0 : i32
    return %arg0, %c0_i32, %c0_i32_0 : i32, i32, i32
  }
  func.func @transform_3(%arg0: i32) -> (i32, i32, i32) {
    %c0_i32 = arith.constant 0 : i32
    %c0_i32_0 = arith.constant 0 : i32
    %c0_i32_1 = arith.constant 0 : i32
    return %arg0, %c0_i32, %c0_i32_0 : i32, i32, i32
  }
  func.func @transform_4(%arg0: i32) -> (i32, i32) {
    %c0_i32 = arith.constant 0 : i32
    %c0_i32_0 = arith.constant 0 : i32
    %c0_i32_1 = arith.constant 0 : i32
    return %c0_i32, %c0_i32_0 : i32, i32
  }
  func.func @transform_5(%arg0: i32) -> (i32, i32) {
    %c0_i32 = arith.constant 0 : i32
    %c0_i32_0 = arith.constant 0 : i32
    %c0_i32_1 = arith.constant 0 : i32
    return %c0_i32, %c0_i32_0 : i32, i32
  }
  func.func @transform_6(%arg0: i32) -> (i32, i32, i32) {
    %c0_i32 = arith.constant 0 : i32
    %c0_i32_0 = arith.constant 0 : i32
    %c0_i32_1 = arith.constant 0 : i32
    return %arg0, %c0_i32, %c0_i32_0 : i32, i32, i32
  }
  func.func @transform_7(%arg0: i32) -> (i32, i32, i32) {
    %c0_i32 = arith.constant 0 : i32
    %c0_i32_0 = arith.constant 0 : i32
    %c0_i32_1 = arith.constant 0 : i32
    return %arg0, %c0_i32, %c0_i32_0 : i32, i32, i32
  }
  func.func @transform_8(%arg0: i32) -> (i32, i32, i32) {
    %c0_i32 = arith.constant 0 : i32
    %c0_i32_0 = arith.constant 0 : i32
    %c0_i32_1 = arith.constant 0 : i32
    return %arg0, %c0_i32, %c0_i32_0 : i32, i32, i32
  }
  func.func @transform_9(%arg0: i32) -> (i32, i32, i32) {
    %c0_i32 = arith.constant 0 : i32
    %c0_i32_0 = arith.constant 0 : i32
    %c0_i32_1 = arith.constant 0 : i32
    return %arg0, %c0_i32, %c0_i32_0 : i32, i32, i32
  }
}

</mosaic_0001>

<sc_bundles>
// kernel: sparse-core-data-format-call.cloned.1.call-start
scs
called_computation_lowered:
.L_overlay_start_0:
0x0: {  	s1 =	sld [smem:$0x3FD9]  }
0x1: {  	s2 =	sld [smem:$0x3FFE];
	_ =	sdelay $0x1  }
0x2: {  	s3 =	srdreg.scid  }
0x3: {  	s0 =	sand.u32 $0x1, s3  }
0x4: {  	s17 =	sshll.u32 s0, $0xA;
	s1 =	sadd.s32 s2, s1  }
0x5: {  	s1 =	sadd.s32 s1, s17  }
0x6: {  	[smem:$0x3FA0] =	sst s1  }
0x7: {  	_ = 	snop  }
0x8: {  	(tm) =	ssettm $0x1  }
0x9: {  	s18 =	sld [smem:$0x3FFB];
	_ =	sdelay $0x3  }
0xa: {  	_ =	strace s18  }
0xb: {  	s1 =	sld [smem:$0x3FFC];
	_ =	sdelay $0x3  }
0xc: {  	_ =	strace s1  }
0xd: {  	s1 =	sld [smem:$0x3FFD];
	_ =	sdelay $0x3  }
0xe: {  	_ =	strace s1  }
0xf: {  	_ =	strace $0x8FFFFFFF  }
0x10: {  	s19 =	sld [smem:$0x3FDB];
	_ =	sdelay $0x1  }
0x11: {  	s20 =	simm.s32 $_scs_section_size  }
0x12: {  	s4 =	simm.s32 $_size__tile_overlayer_lowered;
	s5 =	simm.s32 $_tile_overlayer_lowered  }
0x13: {  	s23 =	simm.s32 $0x1BFF;
	s22 =	sshll.u32 s5, $0x1;
	s1 =	sadd.s32 s20, s19  }
0x14: {  	s6 =	simm.s32 $0x0;
	s21 =	sshll.u32 s4, $0x1;
	s4 =	sadd.s32 s22, s1  }
0x15: {  	[timem:s6], [sflag:s23] =	dma.local [hbm:s4], s21  }
0x16: {  	_ =	swait.ge [sflag:s23], s21  }
0x17: {  	s2 =	ssub.s32 $0x0, s21;
	[sflag:s23] =	ssyncset.done $0x0  }
0x18: {  	[sflag:s23] =	ssyncadd.s32 s2;
	_ =	sdelay $0x1  }
0x19: {  	s24 =	simm.s32 $0x1B8B  }
0x1a: {  	_ =	swait.ge [sflag:s24], $0x1  }
0x1b: {  	[sflag:s24] =	ssyncset.done $0x0  }
0x1c: {  	s26 =	simm.s32 $0x1B8E;
	s25 =	sld [smem:$0x3FFE];
	[sflag:s24] =	ssyncadd.s32 $0xFFFFFFFF  }
0x1d: {  	s27 =	simm.s32 $execute0_lowered;
	[smem:$0x3FD2] =	sst s26  }
0x1e: {  	s4 =	sshll.u32 s27, $0x1;
	_ =	strace $0x80000046;
	[dreg:$0x1] =	wrdreg $0xFFFFFFFF  }
0x1f: {  	s28 =	simm.s32 $_size_execute0_lowered;
	s1 =	sadd.s32 s1, s4;
	[dreg:$0x0] =	wrdreg $0x0  }
0x20: {  	s4 =	sshll.u32 s28, $0x1;
	[dreg:$0x2] =	wrdreg s1  }
0x21: {  	[dreg:$0x3] =	wrdreg s4  }
0x22: {  	[dreg:$0x4] =	wrdreg $0xC0  }
0x23: {  	_ =	task [dreg:s6], $0x5FFFF  }
0x24: {  	[dreg:$0x1] =	wrdreg $0xFFFFFFFF  }
0x25: {  	[dreg:$0x0] =	wrdreg $0x60  }
0x26: {  	[dreg:$0x2] =	wrdreg s25  }
0x27: {  	[dreg:$0x3] =	wrdreg $0x9  }
0x28: {  	_ =	task.clear_ibuf [dreg:s6], $0x4FFFF;
	_ =	strace $0x90000046  }
0x29: {  	s29 =	simm.s32 $0x9;
	_ =	strace $0x80000048  }
0x2a: {  	_ =	swait.ge [sflag:s29], $0x1  }
0x2b: {  	[sflag:s29] =	ssyncadd.s32 $0xFFFFFFFF  }
0x2c: {  	_ =	strace $0x90000048  }
0x2d: {  	_ =	sfence  }
0x2e: {  	s30 =	sld [smem:$0x0];
	_ =	sdelay $0x2  }
0x2f: {  	s31 =	sshll.u32 s3, $0xD;
	s3 =	sshrl.u32 s3, $0x2  }
0x30: {  	s2 =	sand.u32 $0x4000, s31;
	s1 =	sadd.s32 s3, s30  }
0x31: {  	s0 =	sor.u32 s2, s0;
	s1 =	sshll.u32 s1, $0x11  }
0x32: {  	s0 =	sor.u32 s1, s0  }
0x33: {  	s0 =	sadd.s32 $0x8F2B, s0  }
0x34: {  	[sflag:s0] =	ssyncadd.remote.s32 $0x1  }
0x35: {  	_ =	sfence.sel $0xFFFF  }
0x36: {  	[dreg:$0x0] =	wrdreg $0xFFFFFFFF;
	(pc) =	sbr.abs _section_cstart, $3  }
0x37: {  	[dreg:$0x1] =	wrdreg $0xFFFFFFFF  }
0x38: {  	_ =	task.clear_ibuf [dreg:s6], $0x2FFFF;
	_ =	strace $0x9FFFFFFF  }
0x39: {  	(tm) =	ssettm $0x7FFFFFFF  }
tec
execute0_lowered:
.L_overlay_start_1:
0x0: {  	(tag) =	ssettag $0x1  }
0x1: {  	s0 =	stileid.u32  }
0x2: {  	s1 =	srdreg.scid;
	s3 =	rddreg [dreg:$0x0];
	s7 =	simm.s32 $0x1  }
0x3: {  	s6 =	simm.s32 $0x1;
	s2 =	sshll.u32 s0, $0x5;
	s1 =	sshll.u32 s1, $0x9  }
0x4: {  	s31 =	simm.s32 $0x2;
	s16 =	simm.s32 $0x0;
	s1 =	sor.u32 s2, s1  }
0x5: {  	s9 =	simm.s32 $0x4000;
	s14 =	simm.s32 $0x0;
	s2 =	sand.u32 $0x380, s1  }
0x6: {  	s15 =	simm.s32 $0x0;
	s10 =	simm.s32 $0x0;
	s5 =	ssub.s32 $0x800, s2  }
0x7: {  	s13 =	simm.s32 $0x0;
	s1 =	rddreg [dreg:$0x1];
	s4 =	sand.u32 $0x380, s5  }
.Ltmp0:
0x8: {  	_ =	strace $0x80000047;
	p0 =	sne.s32 s4, $0x0;
	(pc) =	sbr.rel .LBB1_1-.Ltmp0, $4  }
0x9: {  	[sflag:s6] =	ssyncpa.u1 $0x0;
	s8 =	sshrl.u32 s5, $0xA;
	s7 =	simm.s32 @!p0 $0x0  }
0xa: {  	s11 =	smov.u32 s2;
	s5 =	sand.u32 $0x3, s0;
	s7 =	sadd.s32 s7, s8  }
0xb: {  	[sflag:s31] =	ssyncpa.u1 $0x0;
	s4 =	sadd.s32 $0x200000, s3;
	s7 =	sshll.u32 s7, $0x4  }
0xc: {  	s12 =	smov.u32 s5;
	p0 =	por $0x0, $0x0;
	s8 =	sor.u32 $0x1, s7  }
.LBB1_4:
0xd: {  	v5 =	vld [tilespmem:s19+$0xFFFFFFD0]  }
0xe: {  	[tilespmem:s20+$0x2040 ss:$0x81] =	vst.msk $0xffff, v1;
	v58 =	vld [tilespmem:s19+$0xFFFFFFE0]  }
0xf: {  	[tilespmem:s20+$0x2850 ss:$0x81] =	vst.msk $0xffff, v2;
	v59 =	vld [tilespmem:s19+$0xFFFFFFF0]  }
0x10: {  	s21 =	sshra.s32 s21, $0x2;
	[tilespmem:s20+$0x3060 ss:$0x81] =	vst.msk $0xffff, v3;
	v60 =	vld [tilespmem:s19+$0x0]  }
0x11: {  	[tilespmem:s20+$0x0 ss:$0x81] =	vst.msk $0xffff, v0;
	v61 =	vld [tilespmem:s19+$0x10];
	s18 =	sadd.s32 s21, s18  }
0x12: {  	s26 =	sshll.u32 s16, $0xB;
	v62 =	vld [tilespmem:s19+$0x20];
	[tilespmem:s18+$0x3870 ss:$0x81] =	vst.msk $0xffff, v4  }
0x13: {  	s27 =	sand.u32 $0x78, s14;
	s22 =	sshll.u32 s14, $0x3;
	v63 =	vld [tilespmem:s19+$0xFFFFFFC0];
	s29 =	sshll.u32 s16, $0x7;
	[tilespmem:s18+$0x810 ss:$0x81] =	vst.msk $0xffff, v5  }
0x14: {  	s15 =	sshll.u32 s15, $0x13;
	s20 =	sand.u32 $0x3FC000, s26;
	s28 =	sand.u32 $0x3FFC00, s22;
	[tilespmem:s18+$0x1020 ss:$0x81] =	vst.msk $0xffff, v58  }
0x15: {  	s31 =	sand.u32 $0x7, s14;
	s22 =	sand.u32 $0x400, s22;
	s19 =	sadd.s32 s28, s20;
	[tilespmem:s18+$0x1830 ss:$0x81] =	vst.msk $0xffff, v59  }
0x16: {  	s16 =	sand.u32 $0x380, s29;
	s30 =	sor.u32 s27, s22;
	s19 =	sshrl.u32 s19, $0x3;
	[tilespmem:s18+$0x2040 ss:$0x81] =	vst.msk $0xffff, v60  }
0x17: {  	s15 =	sadd.s32 s4, s15;
	s16 =	sor.u32 s16, s30;
	s19 =	sand.u32 $0x7FF00, s19;
	[tilespmem:s18+$0x2850 ss:$0x81] =	vst.msk $0xffff, v61  }
0x18: {  	s14 =	sshll.u32 s31, $0x12;
	s16 =	sshrl.u32 s16, $0x3;
	[tilespmem:s18+$0x3060 ss:$0x81] =	vst.msk $0xffff, v62;
	s15 =	sadd.s32 s19, s15  }
0x19: {  	s14 =	sor.u32 $0x400, s14;
	[tilespmem:s18+$0x0 ss:$0x81] =	vst.msk $0xffff, v63;
	s15 =	sadd.s32 s16, s15  }
0x1a: {  	[hbm4b:s15+s14] =	stream.strided.scatter [tilespmem:s17], [sflag:$0x2], $0x4000, s9, s14, $0x20;
	[tilespmem:$0x10100] =	vst v63  }
.LBB1_5:
0x1b: {  	s17 =	sadd.s32 $0x80, s10  }
0x1c: {  	s14 =	sadd.s32 $0x400, s11;
	s18 =	smov.u32 s11;
	p2 =	sgt.s32 s17, $0x7FF  }
0x1d: {  	s18 =	smov.u32 @p2 s14  }
0x1e: {  	s20 =	smov.u32 s12;
	s14 =	sadd.s32 $0x4, s12;
	p3 =	sgt.s32 s18, $0x7FF  }
0x1f: {  	s20 =	smov.u32 @p3 s14  }
0x20: {  	s17 =	simm.s32 @p2 $0x0;
	p2 =	sgt.s32 s20, $0x3  }
0x21: {  	p1 =	slt.u32 s13, $0x2;
	s20 =	smov.u32 @p2 s5;
	p2 =	sne.s32 s13, s8  }
.Ltmp1:
0x22: {  	s19 =	simm.s32 @!p1 $0x2;
	(pc) =	sbr.rel @!p2 .LBB1_6-.Ltmp1, $4  }
0x23: {  	s16 =	smov.u32 s10;
	s15 =	smov.u32 s12;
	_ =	swait.ge @!p1 [sflag:s19], $0x4000  }
0x24: {  	p0 =	por !p0, !p0;
	[sflag:s19] =	ssyncset.done @!p1 $0x0;
	s10 =	smov.u32 s17  }
0x25: {  	s18 =	smov.u32 @p3 s2;
	s14 =	smov.u32 s11;
	[sflag:s19] =	ssyncadd.s32 @!p1 $0xFFFFC000  }
0x26: {  	s11 =	smov.u32 s18;
	s13 =	sadd.s32 $0x1, s13;
	s12 =	smov.u32 s20  }
.LBB1_1:
0x27: {  	p1 =	sge.u32 s13, s7;
	s31 =	sadd.s32 $0xFFFFFFFF, s13  }
0x28: {  	s17 =	sxor.u32 @!p1 $0xFFFFFFFF, s13;
	s18 =	sand.u32 @!p1 $0x78, s10;
	s19 =	sshll.u32 @!p1 s11, $0xB  }
0x29: {  	s20 =	sshll.u32 @!p1 s11, $0x7;
	s21 =	sshll.u32 @!p1 s10, $0x3;
	s17 =	sshll.u32 @!p1 s17, $0xE  }
0x2a: {  	s19 =	sand.u32 @!p1 $0x3FC000, s19;
	s20 =	sand.u32 @!p1 $0x380, s20;
	s17 =	sand.u32 @!p1 $0x4000, s17  }
0x2b: {  	s19 =	sadd.s32 @!p1 s19, s21;
	s21 =	sand.u32 @!p1 $0x400, s21;
	s18 =	sor.u32 @!p1 s20, s18  }
0x2c: {  	s20 =	sshll.u32 @!p1 s12, $0x13;
	s18 =	sor.u32 @!p1 s21, s18;
	s19 =	sshrl.u32 @!p1 s19, $0x3  }
0x2d: {  	s20 =	sadd.s32 @!p1 s3, s20;
	s21 =	sand.u32 @!p1 $0x7, s10;
	s19 =	sand.u32 @!p1 $0x7FF00, s19  }
0x2e: {  	s18 =	sshrl.u32 @!p1 s18, $0x3;
	s19 =	sadd.s32 @!p1 s19, s20;
	s20 =	sshll.u32 @!p1 s21, $0x12  }
0x2f: {  	s18 =	sadd.s32 @!p1 s18, s19;
	s19 =	sor.u32 @!p1 $0x400, s20;
	s20 =	simm.s32 @!p1 $0x4000  }
0x30: {  	[tilespmem:s17], [sflag:$0x1] =	stream.strided.gather @!p1 [hbm4b:s18+s19], $0x4000, s20, s19, $0x38;
	[tilespmem:$0x10100] =	vst v63  }
0x31: {  	p1 =	sge.u32 s31, s7  }
.Ltmp2:
0x32: {  	_ = 	snop;
	(pc) =	sbr.rel @p1 .LBB1_5-.Ltmp2, $1  }
0x33: {  	_ =	sdelay $0x3  }
0x34: {  	s17 =	simm.s32 $0x1  }
0x35: {  	_ =	swait.ge [sflag:s6], $0x4000;
	s17 =	simm.s32 @!p0 $0x0  }
0x36: {  	[sflag:s6] =	ssyncset.done $0x0;
	s18 =	sshll.u32 s17, $0xE  }
0x37: {  	[sflag:s6] =	ssyncadd.s32 $0xFFFFC000;
	s19 =	sor.u32 $0x40, s18  }
0x38: {  	s17 =	smul.u32 $0x10200, s17;
	v0 =	vld [tilespmem:s19+$0x30]  }
0x39: {  	v3 =	vld [tilespmem:s19+$0xFFFFFFD0]  }
0x3a: {  	s17 =	sshrl.u32 s17, $0x2;
	v4 =	vld [tilespmem:s19+$0xFFFFFFE0]  }
0x3b: {  	v5 =	vld [tilespmem:s19+$0xFFFFFFF0];
	s18 =	sor.u32 $0x8000, s17  }
0x3c: {  	s31 =	sand.u32 $0x1, s13;
	v1 =	vld [tilespmem:s19+$0x0];
	s20 =	sadd.s32 $0x0, s18  }
0x3d: {  	v2 =	vld [tilespmem:s19+$0x10];
	s17 =	smul.u32 $0x10200, s31;
	[tilespmem:s20+$0x3870 ss:$0x81] =	vst.msk $0xffff, v0  }
0x3e: {  	[tilespmem:s20+$0x810 ss:$0x81] =	vst.msk $0xffff, v3;
	v3 =	vld [tilespmem:s19+$0x20]  }
0x3f: {  	s17 =	sshrl.u32 s17, $0x2;
	v0 =	vld [tilespmem:s19+$0xFFFFFFC0];
	[tilespmem:s20+$0x1020 ss:$0x81] =	vst.msk $0xffff, v4;
	s19 =	sadd.s32 $0x80, s19  }
0x40: {  	s21 =	simm.s32 $0x4;
	s22 =	simm.s32 $0x8;
	s17 =	sor.u32 $0x8000, s17;
	[tilespmem:s20+$0x1830 ss:$0x81] =	vst.msk $0xffff, v5;
	v4 =	vld [tilespmem:s19+$0x30]  }
.LBB1_3:
0x41: {  	p1 =	sne.s32 s22, $0x1FC;
	v5 =	vld [tilespmem:s19+$0xFFFFFFD0];
	[tilespmem:s20+$0x2040 ss:$0x81] =	vst.msk $0xffff, v1  }
0x42: {  	v6 =	vld [tilespmem:s19+$0xFFFFFFE0];
	[tilespmem:s20+$0x2850 ss:$0x81] =	vst.msk $0xffff, v2  }
0x43: {  	s23 =	sshra.s32 s21, $0x2;
	s21 =	smov.u32 s22;
	v7 =	vld [tilespmem:s19+$0xFFFFFFF0];
	[tilespmem:s20+$0x3060 ss:$0x81] =	vst.msk $0xffff, v3  }
.Ltmp3:
0x44: {  	v1 =	vld [tilespmem:s19+$0x0];
	[tilespmem:s20+$0x0 ss:$0x81] =	vst.msk $0xffff, v0;
	s20 =	sadd.s32 s23, s18;
	(pc) =	sbr.rel @p1 .LBB1_3-.Ltmp3, $4  }
0x45: {  	v2 =	vld [tilespmem:s19+$0x10];
	[tilespmem:s20+$0x3870 ss:$0x81] =	vst.msk $0xffff, v4  }
0x46: {  	[tilespmem:s20+$0x810 ss:$0x81] =	vst.msk $0xffff, v5;
	v3 =	vld [tilespmem:s19+$0x20]  }
0x47: {  	v0 =	vld [tilespmem:s19+$0xFFFFFFC0];
	[tilespmem:s20+$0x1020 ss:$0x81] =	vst.msk $0xffff, v6;
	s19 =	sadd.s32 $0x80, s19  }
0x48: {  	s22 =	sadd.s32 $0x4, s22;
	v4 =	vld [tilespmem:s19+$0x30];
	[tilespmem:s20+$0x1830 ss:$0x81] =	vst.msk $0xffff, v7  }
.Ltmp4:
0x49: {  	_ = 	snop;
	(pc) =	sbr.rel .LBB1_4-.Ltmp4, $1  }
0x4a: {  	_ =	sdelay $0x3  }
.LBB1_6:
0x4b: {  	_ =	sfence.sel $0x180000  }
0x4c: {  	s2 =	simm.s32 $0x1;
	[bflag:$0x0] =	sbarrier.arrive $0xFFFF  }
0x4d: {  	s31 =	simm.s32 $0x2;
	[sflag:s2] =	ssyncpa.u1 $0x1  }
0x4e: {  	[sflag:s31] =	ssyncpa.u1 $0x1  }
0x4f: {  	p0 =	sne.s32 s0, $0x0;
	_ =	strace $0x90000047  }
0x50: {  	s0 =	sadd.s32 @!p0 $0x100000, s1;
	[bflag:$0x2] =	sbarrier.arrive $0xFFFF  }
0x51: {  	[sflag:s0] =	ssyncadd.tile.s32 @!p0 $0x1;
	_ =	shalt  }
.Lfunc_end1:
_tile_overlayer_lowered:
.L_overlay_start_2:
0x52: {  	(tag) =	ssettag $0x2  }
0x53: {  	s0 =	rddreg [dreg:$0x0];
	s2 =	stileid.u32  }
0x54: {  	s1 =	rddreg [dreg:$0x1];
	p0 =	sne.s32 s2, $0x0  }
0x55: {  	s3 =	rddreg [dreg:$0x2];
	[bflag:$0x3] =	sbarrier.arrive $0xFFFF;
	s2 =	simm.s32 @!p0 $0x1C01  }
0x56: {  	[timem:s3], [sflag:s2] =	dma.local @!p0 [hbm:s0], s1  }
0x57: {  	s0 =	simm.s32 @!p0 $0x1  }
0x58: {  	_ =	swait.ge @!p0 [sflag:s0], s1  }
0x59: {  	s1 =	ssub.s32 @!p0 $0x0, s1;
	[sflag:s0] =	ssyncset.done @!p0 $0x0  }
0x5a: {  	[sflag:s0] =	ssyncadd.s32 @!p0 s1  }
0x5b: {  	[bflag:$0x3] =	sbarrier.arrive $0xFFFF  }
0x5c: {  	_ =	shalt  }

</sc_bundles>
